<compile_context>
chip_gen: v7x
topology: tpu7x:2x2x1
jax: 0.10.2.dev20260603
libtpu: 0.0.44.dev20260713+nightly
codegen_flags: <defaults>
</compile_context>

<pallas_src>
import jax
import jax.numpy as jnp
from jax import lax
from jax.experimental import pallas as pl
from jax.experimental.pallas import tpu as pltpu
from jax.experimental.pallas import tpu_sc as plsc

N = 10000
E = 160000
D = 256
H = 128
NC = 2
NS = 16
B = 128
NB = 79
EP = NS * NB * B
ACC_ROWS = 16 * 626
CNT_ROWS = 16 * 632
DUMP = 10008

MT = 1000


def _sc_body(x_hbm, src_hbm, dst_hbm, sums_hbm, cnt_hbm,
             src_v, dst_v, rows_v, ones_v, zvec_v, acc_s, cnt_s, sem, csem):
    c = lax.axis_index("c")
    s = lax.axis_index("s")
    do_cnt = jnp.logical_or(jnp.logical_and(c == 0, s < 8),
                            jnp.logical_and(c == 1, s >= 8))

    zeros16 = jnp.zeros((16,), jnp.float32)
    ones16 = jnp.ones((16,), jnp.float32)
    for j in range(B // 16):
        ones_v[pl.ds(j * 16, 16)] = ones16
    for j in range(640 // 16):
        zvec_v[pl.ds(j * 16, 16)] = zeros16

    def _zrow(i, carry):
        for j in range(H // 16):
            rows_v[i, pl.ds(j * 16, 16)] = zeros16
        return carry
    lax.fori_loop(0, B, _zrow, 0)

    base = s * 626
    for k in range(4):
        pltpu.sync_copy(rows_v, acc_s.at[pl.ds(base + 128 * k, 128)])
    pltpu.sync_copy(rows_v.at[pl.ds(0, 114)], acc_s.at[pl.ds(base + 512, 114)])

    pltpu.sync_copy(zvec_v.at[pl.ds(0, 632)], cnt_s.at[pl.ds(s * 632, 632)])

    pltpu.sync_copy(src_hbm.at[c, s], src_v)
    pltpu.sync_copy(dst_hbm.at[s], dst_v)

    plsc.subcore_barrier()

    def _step(j, carry):
        pltpu.async_copy(x_hbm.at[src_v.at[j]], rows_v, sem).wait()
        pltpu.sync_copy(rows_v, acc_s.at[dst_v.at[j]], add=True)

        @pl.when(do_cnt)
        def _count():
            pltpu.async_copy(ones_v, cnt_s.at[dst_v.at[j]], csem, add=True)
        return carry
    lax.fori_loop(0, NB, _step, 0)

    @pl.when(do_cnt)
    def _drain_counts():
        def _dr(j, carry):
            pltpu.make_async_copy(cnt_hbm.at[pl.ds(0, B)], ones_v, csem).wait()
            return carry
        lax.fori_loop(0, NB, _dr, 0)

    plsc.subcore_barrier()

    @pl.when(s < 15)
    def _wb_most():
        pltpu.sync_copy(acc_s.at[pl.ds(s * 624, 624)],
                        sums_hbm.at[c, pl.ds(s * 624, 624)])

    @pl.when(s == 15)
    def _wb_last():
        pltpu.sync_copy(acc_s.at[pl.ds(9360, 640)],
                        sums_hbm.at[c, pl.ds(9360, 640)])

    pltpu.sync_copy(cnt_s.at[pl.ds(s * 632, 632)], zvec_v.at[pl.ds(0, 632)])
    pltpu.sync_copy(zvec_v.at[pl.ds(0, 632)],
                    cnt_hbm.at[pl.ds(c * CNT_ROWS + s * 632, 632)])


_sc_gather = pl.kernel(
    _sc_body,
    out_type=[
        jax.ShapeDtypeStruct((NC, N, H), jnp.float32),
        jax.ShapeDtypeStruct((NC * CNT_ROWS,), jnp.float32),
    ],
    mesh=plsc.VectorSubcoreMesh(core_axis_name="c", subcore_axis_name="s"),
    scratch_types=[
        pltpu.VMEM((NB, B), jnp.int32),
        pltpu.VMEM((NB, B), jnp.int32),
        pltpu.VMEM((B, H), jnp.float32),
        pltpu.VMEM((B,), jnp.float32),
        pltpu.VMEM((640,), jnp.float32),
        pltpu.VMEM_SHARED((ACC_ROWS, H), jnp.float32),
        pltpu.VMEM_SHARED((CNT_ROWS,), jnp.float32),
        pltpu.SemaphoreType.DMA,
        pltpu.SemaphoreType.DMA,
    ],
)


def _mlp_body(lo_ref, hi_ref, c0_ref, c1_ref, w1a_ref, w1b_ref, b1_ref,
              w2_ref, b2_ref, out_ref):
    inv = 1.0 / jnp.maximum(c0_ref[0] + c1_ref[0], 1.0)
    lo = lo_ref[0] * inv
    hi = hi_ref[0] * inv
    h = jnp.dot(lo, w1a_ref[...], preferred_element_type=jnp.float32)
    h += jnp.dot(hi, w1b_ref[...], preferred_element_type=jnp.float32)
    h = jnp.maximum(h + b1_ref[...], 0.0)
    out = jnp.dot(h, w2_ref[...], preferred_element_type=jnp.float32)
    out_ref[...] = out + b2_ref[...]


_mlp = pl.pallas_call(
    _mlp_body,
    grid=(N // MT,),
    in_specs=[
        pl.BlockSpec((1, MT, H), lambda i: (0, i, 0)),
        pl.BlockSpec((1, MT, H), lambda i: (1, i, 0)),
        pl.BlockSpec((1, MT, 1), lambda i: (0, i, 0)),
        pl.BlockSpec((1, MT, 1), lambda i: (1, i, 0)),
        pl.BlockSpec((H, D), lambda i: (0, 0)),
        pl.BlockSpec((H, D), lambda i: (0, 0)),
        pl.BlockSpec((1, D), lambda i: (0, 0)),
        pl.BlockSpec((D, D), lambda i: (0, 0)),
        pl.BlockSpec((1, D), lambda i: (0, 0)),
    ],
    out_specs=pl.BlockSpec((MT, D), lambda i: (i, 0)),
    out_shape=jax.ShapeDtypeStruct((N, D), jnp.float32),
)


def kernel(x, edge_index, W1, b1, W2, b2):
    ei = edge_index.astype(jnp.int32)
    dst = ei[0]
    src = ei[1]
    pad = EP - E
    src_p = jnp.concatenate([src, jnp.zeros((pad,), jnp.int32)])
    dst_p = jnp.concatenate([dst, jnp.full((pad,), DUMP, jnp.int32)])
    src2 = jnp.stack([src_p, src_p + N]).reshape(NC, NS, NB, B)
    dst3 = dst_p.reshape(NS, NB, B)
    x2 = x.reshape(N, NC, H).transpose(1, 0, 2).reshape(NC * N, H)

    sums, counts = _sc_gather(x2, src2, dst3)

    cnt3 = counts.reshape(NC, CNT_ROWS)[:, :N].reshape(NC, N, 1)
    out = _mlp(sums, sums, cnt3, cnt3, W1[:H], W1[H:], b1.reshape(1, D), W2,
               b2.reshape(1, D))
    return out

# --- scband reference (transcript-rebuilt; emitter-appended) ---
"""Pipeline reference for scband-local-context-gather-36197984370762 (READ-ONLY COPY).

The authoritative reference and input builder live on the scoring server;
editing this copy changes nothing except your own understanding.
"""

import jax, jax.numpy as jnp
import numpy as np

N_NODES = 10000
N_EDGES = 160000
D_FEAT = 256
D_LOCAL = 256

def setup_inputs(seed: int = 0) -> dict:
    key = jax.random.key(seed)
    k1, k2, k3, k4, k5, k6 = jax.random.split(key, 6)
    x = jax.random.normal(k1, (N_NODES, D_FEAT), dtype=jnp.float32)
    edge_index = jax.random.randint(k2, (2, N_EDGES), 0, N_NODES, dtype=jnp.int64)
    # nn.Linear init: uniform(-1/sqrt(fan_in), 1/sqrt(fan_in))
    lim1 = 1.0 / np.sqrt(D_FEAT)
    W1 = jax.random.uniform(k3, (D_FEAT, D_LOCAL), minval=-lim1, maxval=lim1, dtype=jnp.float32)
    b1 = jax.random.uniform(k4, (D_LOCAL,), minval=-lim1, maxval=lim1, dtype=jnp.float32)
    lim2 = 1.0 / np.sqrt(D_LOCAL)
    W2 = jax.random.uniform(k5, (D_LOCAL, D_LOCAL), minval=-lim2, maxval=lim2, dtype=jnp.float32)
    b2 = jax.random.uniform(k6, (D_LOCAL,), minval=-lim2, maxval=lim2, dtype=jnp.float32)
    return {"x": x, "edge_index": edge_index, "W1": W1, "b1": b1, "W2": W2, "b2": b2}

def reference(x, edge_index, W1, b1, W2, b2):
    dst = edge_index[0]
    src = edge_index[1]
    gathered = jnp.take(x, src, axis=0)  # [E, d_feat]
    sums = jax.ops.segment_sum(gathered, dst, num_segments=x.shape[0])
    counts = jax.ops.segment_sum(jnp.ones((edge_index.shape[1],), dtype=x.dtype), dst, num_segments=x.shape[0])
    local_context = sums / jnp.clip(counts, 1.0, None)[:, None]  # scatter_mean
    h = jnp.maximum(local_context @ W1 + b1, 0.0)
    out = h @ W2 + b2
    return out

if __name__ == "__main__":
    import jax
    _d = setup_inputs()
    print(jax.jit(kernel)(*tuple(_d.values())))

</pallas_src>

<mosaic_0001>
#map = affine_map<(d0, d1) -> (0, 0)>
#map1 = affine_map<(d0, d1) -> (0, 0, 0, 0)>
#map2 = affine_map<(d0, d1) -> (0, 0, 0)>
#map3 = affine_map<(d0, d1) -> (0)>
module attributes {stable_mosaic.version = 14 : i64} {
  func.func @_sc_body(%arg0: i32, %arg1: i32, %arg2: memref<20000x128xf32, #tpu.memory_space<hbm>>, %arg3: memref<2x16x79x128xi32, #tpu.memory_space<hbm>>, %arg4: memref<16x79x128xi32, #tpu.memory_space<hbm>>, %arg5: memref<2x10000x128xf32, #tpu.memory_space<hbm>>, %arg6: memref<20224xf32, #tpu.memory_space<hbm>>, %arg7: memref<79x128xi32, #tpu.memory_space<vmem>>, %arg8: memref<79x128xi32, #tpu.memory_space<vmem>>, %arg9: memref<128x128xf32, #tpu.memory_space<vmem>>, %arg10: memref<128xf32, #tpu.memory_space<vmem>>, %arg11: memref<640xf32, #tpu.memory_space<vmem>>, %arg12: memref<10016x128xf32, #tpu.memory_space<vmem_shared>>, %arg13: memref<10112xf32, #tpu.memory_space<vmem_shared>>, %arg14: memref<!tpu.dma_semaphore, #tpu.memory_space<semaphore_mem>>, %arg15: memref<!tpu.dma_semaphore, #tpu.memory_space<semaphore_mem>>) attributes {dimension_semantics = [#tpu.dimension_semantics<core_parallel>, #tpu.dimension_semantics<subcore_parallel>], iteration_bounds = array<i64: 2, 16>, scalar_prefetch = 0 : i64, scratch_operands = 9 : i64, tpu.core_type = #tpu.core_type<sc_vector_subcore>, window_params = [{transform_indices = #map}, {transform_indices = #map1}, {transform_indices = #map2}, {transform_indices = #map2}, {transform_indices = #map3}]} {
    %eq3A = arith.constant 0 : i32
    %eq3A_0 = arith.cmpi eq, %arg0, %eq3A : i32
    %lt3A = arith.constant 8 : i32
    %lt3A_1 = arith.cmpi slt, %arg1, %lt3A : i32
    %and3A = arith.andi %eq3A_0, %lt3A_1 : i1
    %eq3A_2 = arith.constant 1 : i32
    %eq3A_3 = arith.cmpi eq, %arg0, %eq3A_2 : i32
    %ge3A = arith.constant 8 : i32
    %ge3A_4 = arith.cmpi sge, %arg1, %ge3A : i32
    %and3A_5 = arith.andi %eq3A_3, %ge3A_4 : i1
    %or3A = arith.ori %and3A, %and3A_5 : i1
    %broadcast_in_dim3A = arith.constant 0.000000e+00 : f32
    %broadcast_in_dim3A_6 = vector.broadcast %broadcast_in_dim3A : f32 to vector<16xf32>
    %broadcast_in_dim3A_7 = arith.constant 1.000000e+00 : f32
    %broadcast_in_dim3A_8 = vector.broadcast %broadcast_in_dim3A_7 : f32 to vector<16xf32>
    %swap3A = arith.constant 0 : index
    %swap3A_9 = tpu.vector_load %arg10[%swap3A] {strides = array<i32>} : memref<128xf32, #tpu.memory_space<vmem>>, vector<16xf32>,
    %swap3A_10 = vector.shape_cast %swap3A_9 : vector<16xf32> to vector<16xf32>
    %swap3A_11 = vector.shape_cast %broadcast_in_dim3A_8 : vector<16xf32> to vector<16xf32>
    tpu.vector_store %arg10[%swap3A], %swap3A_11 {strides = array<i32>} : memref<128xf32, #tpu.memory_space<vmem>>, vector<16xf32>,
    %swap3A_12 = arith.constant 16 : index
    %swap3A_13 = tpu.vector_load %arg10[%swap3A_12] {strides = array<i32>} : memref<128xf32, #tpu.memory_space<vmem>>, vector<16xf32>,
    %swap3A_14 = vector.shape_cast %swap3A_13 : vector<16xf32> to vector<16xf32>
    %swap3A_15 = vector.shape_cast %broadcast_in_dim3A_8 : vector<16xf32> to vector<16xf32>
    tpu.vector_store %arg10[%swap3A_12], %swap3A_15 {strides = array<i32>} : memref<128xf32, #tpu.memory_space<vmem>>, vector<16xf32>,
    %swap3A_16 = arith.constant 32 : index
    %swap3A_17 = tpu.vector_load %arg10[%swap3A_16] {strides = array<i32>} : memref<128xf32, #tpu.memory_space<vmem>>, vector<16xf32>,
    %swap3A_18 = vector.shape_cast %swap3A_17 : vector<16xf32> to vector<16xf32>
    %swap3A_19 = vector.shape_cast %broadcast_in_dim3A_8 : vector<16xf32> to vector<16xf32>
    tpu.vector_store %arg10[%swap3A_16], %swap3A_19 {strides = array<i32>} : memref<128xf32, #tpu.memory_space<vmem>>, vector<16xf32>,
    %swap3A_20 = arith.constant 48 : index
    %swap3A_21 = tpu.vector_load %arg10[%swap3A_20] {strides = array<i32>} : memref<128xf32, #tpu.memory_space<vmem>>, vector<16xf32>,
    %swap3A_22 = vector.shape_cast %swap3A_21 : vector<16xf32> to vector<16xf32>
    %swap3A_23 = vector.shape_cast %broadcast_in_dim3A_8 : vector<16xf32> to vector<16xf32>
    tpu.vector_store %arg10[%swap3A_20], %swap3A_23 {strides = array<i32>} : memref<128xf32, #tpu.memory_space<vmem>>, vector<16xf32>,
    %swap3A_24 = arith.constant 64 : index
    %swap3A_25 = tpu.vector_load %arg10[%swap3A_24] {strides = array<i32>} : memref<128xf32, #tpu.memory_space<vmem>>, vector<16xf32>,
    %swap3A_26 = vector.shape_cast %swap3A_25 : vector<16xf32> to vector<16xf32>
    %swap3A_27 = vector.shape_cast %broadcast_in_dim3A_8 : vector<16xf32> to vector<16xf32>
    tpu.vector_store %arg10[%swap3A_24], %swap3A_27 {strides = array<i32>} : memref<128xf32, #tpu.memory_space<vmem>>, vector<16xf32>,
    %swap3A_28 = arith.constant 80 : index
    %swap3A_29 = tpu.vector_load %arg10[%swap3A_28] {strides = array<i32>} : memref<128xf32, #tpu.memory_space<vmem>>, vector<16xf32>,
    %swap3A_30 = vector.shape_cast %swap3A_29 : vector<16xf32> to vector<16xf32>
    %swap3A_31 = vector.shape_cast %broadcast_in_dim3A_8 : vector<16xf32> to vector<16xf32>
    tpu.vector_store %arg10[%swap3A_28], %swap3A_31 {strides = array<i32>} : memref<128xf32, #tpu.memory_space<vmem>>, vector<16xf32>,
    %swap3A_32 = arith.constant 96 : index
    %swap3A_33 = tpu.vector_load %arg10[%swap3A_32] {strides = array<i32>} : memref<128xf32, #tpu.memory_space<vmem>>, vector<16xf32>,
    %swap3A_34 = vector.shape_cast %swap3A_33 : vector<16xf32> to vector<16xf32>
    %swap3A_35 = vector.shape_cast %broadcast_in_dim3A_8 : vector<16xf32> to vector<16xf32>
    tpu.vector_store %arg10[%swap3A_32], %swap3A_35 {strides = array<i32>} : memref<128xf32, #tpu.memory_space<vmem>>, vector<16xf32>,
    %swap3A_36 = arith.constant 112 : index
    %swap3A_37 = tpu.vector_load %arg10[%swap3A_36] {strides = array<i32>} : memref<128xf32, #tpu.memory_space<vmem>>, vector<16xf32>,
    %swap3A_38 = vector.shape_cast %swap3A_37 : vector<16xf32> to vector<16xf32>
    %swap3A_39 = vector.shape_cast %broadcast_in_dim3A_8 : vector<16xf32> to vector<16xf32>
    tpu.vector_store %arg10[%swap3A_36], %swap3A_39 {strides = array<i32>} : memref<128xf32, #tpu.memory_space<vmem>>, vector<16xf32>,
    %swap3A_40 = arith.constant 0 : index
    %swap3A_41 = tpu.vector_load %arg11[%swap3A_40] {strides = array<i32>} : memref<640xf32, #tpu.memory_space<vmem>>, vector<16xf32>,
    %swap3A_42 = vector.shape_cast %swap3A_41 : vector<16xf32> to vector<16xf32>
    %swap3A_43 = vector.shape_cast %broadcast_in_dim3A_6 : vector<16xf32> to vector<16xf32>
    tpu.vector_store %arg11[%swap3A_40], %swap3A_43 {strides = array<i32>} : memref<640xf32, #tpu.memory_space<vmem>>, vector<16xf32>,
    %swap3A_44 = arith.constant 16 : index
    %swap3A_45 = tpu.vector_load %arg11[%swap3A_44] {strides = array<i32>} : memref<640xf32, #tpu.memory_space<vmem>>, vector<16xf32>,
    %swap3A_46 = vector.shape_cast %swap3A_45 : vector<16xf32> to vector<16xf32>
    %swap3A_47 = vector.shape_cast %broadcast_in_dim3A_6 : vector<16xf32> to vector<16xf32>
    tpu.vector_store %arg11[%swap3A_44], %swap3A_47 {strides = array<i32>} : memref<640xf32, #tpu.memory_space<vmem>>, vector<16xf32>,
    %swap3A_48 = arith.constant 32 : index
    %swap3A_49 = tpu.vector_load %arg11[%swap3A_48] {strides = array<i32>} : memref<640xf32, #tpu.memory_space<vmem>>, vector<16xf32>,
    %swap3A_50 = vector.shape_cast %swap3A_49 : vector<16xf32> to vector<16xf32>
    %swap3A_51 = vector.shape_cast %broadcast_in_dim3A_6 : vector<16xf32> to vector<16xf32>
    tpu.vector_store %arg11[%swap3A_48], %swap3A_51 {strides = array<i32>} : memref<640xf32, #tpu.memory_space<vmem>>, vector<16xf32>,
    %swap3A_52 = arith.constant 48 : index
    %swap3A_53 = tpu.vector_load %arg11[%swap3A_52] {strides = array<i32>} : memref<640xf32, #tpu.memory_space<vmem>>, vector<16xf32>,
    %swap3A_54 = vector.shape_cast %swap3A_53 : vector<16xf32> to vector<16xf32>
    %swap3A_55 = vector.shape_cast %broadcast_in_dim3A_6 : vector<16xf32> to vector<16xf32>
    tpu.vector_store %arg11[%swap3A_52], %swap3A_55 {strides = array<i32>} : memref<640xf32, #tpu.memory_space<vmem>>, vector<16xf32>,
    %swap3A_56 = arith.constant 64 : index
    %swap3A_57 = tpu.vector_load %arg11[%swap3A_56] {strides = array<i32>} : memref<640xf32, #tpu.memory_space<vmem>>, vector<16xf32>,
    %swap3A_58 = vector.shape_cast %swap3A_57 : vector<16xf32> to vector<16xf32>
    %swap3A_59 = vector.shape_cast %broadcast_in_dim3A_6 : vector<16xf32> to vector<16xf32>
    tpu.vector_store %arg11[%swap3A_56], %swap3A_59 {strides = array<i32>} : memref<640xf32, #tpu.memory_space<vmem>>, vector<16xf32>,
    %swap3A_60 = arith.constant 80 : index
    %swap3A_61 = tpu.vector_load %arg11[%swap3A_60] {strides = array<i32>} : memref<640xf32, #tpu.memory_space<vmem>>, vector<16xf32>,
    %swap3A_62 = vector.shape_cast %swap3A_61 : vector<16xf32> to vector<16xf32>
    %swap3A_63 = vector.shape_cast %broadcast_in_dim3A_6 : vector<16xf32> to vector<16xf32>
    tpu.vector_store %arg11[%swap3A_60], %swap3A_63 {strides = array<i32>} : memref<640xf32, #tpu.memory_space<vmem>>, vector<16xf32>,
    %swap3A_64 = arith.constant 96 : index
    %swap3A_65 = tpu.vector_load %arg11[%swap3A_64] {strides = array<i32>} : memref<640xf32, #tpu.memory_space<vmem>>, vector<16xf32>,
    %swap3A_66 = vector.shape_cast %swap3A_65 : vector<16xf32> to vector<16xf32>
    %swap3A_67 = vector.shape_cast %broadcast_in_dim3A_6 : vector<16xf32> to vector<16xf32>
    tpu.vector_store %arg11[%swap3A_64], %swap3A_67 {strides = array<i32>} : memref<640xf32, #tpu.memory_space<vmem>>, vector<16xf32>,
    %swap3A_68 = arith.constant 112 : index
    %swap3A_69 = tpu.vector_load %arg11[%swap3A_68] {strides = array<i32>} : memref<640xf32, #tpu.memory_space<vmem>>, vector<16xf32>,
    %swap3A_70 = vector.shape_cast %swap3A_69 : vector<16xf32> to vector<16xf32>
    %swap3A_71 = vector.shape_cast %broadcast_in_dim3A_6 : vector<16xf32> to vector<16xf32>
    tpu.vector_store %arg11[%swap3A_68], %swap3A_71 {strides = array<i32>} : memref<640xf32, #tpu.memory_space<vmem>>, vector<16xf32>,
    %swap3A_72 = arith.constant 128 : index
    %swap3A_73 = tpu.vector_load %arg11[%swap3A_72] {strides = array<i32>} : memref<640xf32, #tpu.memory_space<vmem>>, vector<16xf32>,
    %swap3A_74 = vector.shape_cast %swap3A_73 : vector<16xf32> to vector<16xf32>
    %swap3A_75 = vector.shape_cast %broadcast_in_dim3A_6 : vector<16xf32> to vector<16xf32>
    tpu.vector_store %arg11[%swap3A_72], %swap3A_75 {strides = array<i32>} : memref<640xf32, #tpu.memory_space<vmem>>, vector<16xf32>,
    %swap3A_76 = arith.constant 144 : index
    %swap3A_77 = tpu.vector_load %arg11[%swap3A_76] {strides = array<i32>} : memref<640xf32, #tpu.memory_space<vmem>>, vector<16xf32>,
    %swap3A_78 = vector.shape_cast %swap3A_77 : vector<16xf32> to vector<16xf32>
    %swap3A_79 = vector.shape_cast %broadcast_in_dim3A_6 : vector<16xf32> to vector<16xf32>
    tpu.vector_store %arg11[%swap3A_76], %swap3A_79 {strides = array<i32>} : memref<640xf32, #tpu.memory_space<vmem>>, vector<16xf32>,
    %swap3A_80 = arith.constant 160 : index
    %swap3A_81 = tpu.vector_load %arg11[%swap3A_80] {strides = array<i32>} : memref<640xf32, #tpu.memory_space<vmem>>, vector<16xf32>,
    %swap3A_82 = vector.shape_cast %swap3A_81 : vector<16xf32> to vector<16xf32>
    %swap3A_83 = vector.shape_cast %broadcast_in_dim3A_6 : vector<16xf32> to vector<16xf32>
    tpu.vector_store %arg11[%swap3A_80], %swap3A_83 {strides = array<i32>} : memref<640xf32, #tpu.memory_space<vmem>>, vector<16xf32>,
    %swap3A_84 = arith.constant 176 : index
    %swap3A_85 = tpu.vector_load %arg11[%swap3A_84] {strides = array<i32>} : memref<640xf32, #tpu.memory_space<vmem>>, vector<16xf32>,
    %swap3A_86 = vector.shape_cast %swap3A_85 : vector<16xf32> to vector<16xf32>
    %swap3A_87 = vector.shape_cast %broadcast_in_dim3A_6 : vector<16xf32> to vector<16xf32>
    tpu.vector_store %arg11[%swap3A_84], %swap3A_87 {strides = array<i32>} : memref<640xf32, #tpu.memory_space<vmem>>, vector<16xf32>,
    %swap3A_88 = arith.constant 192 : index
    %swap3A_89 = tpu.vector_load %arg11[%swap3A_88] {strides = array<i32>} : memref<640xf32, #tpu.memory_space<vmem>>, vector<16xf32>,
    %swap3A_90 = vector.shape_cast %swap3A_89 : vector<16xf32> to vector<16xf32>
    %swap3A_91 = vector.shape_cast %broadcast_in_dim3A_6 : vector<16xf32> to vector<16xf32>
    tpu.vector_store %arg11[%swap3A_88], %swap3A_91 {strides = array<i32>} : memref<640xf32, #tpu.memory_space<vmem>>, vector<16xf32>,
    %swap3A_92 = arith.constant 208 : index
    %swap3A_93 = tpu.vector_load %arg11[%swap3A_92] {strides = array<i32>} : memref<640xf32, #tpu.memory_space<vmem>>, vector<16xf32>,
    %swap3A_94 = vector.shape_cast %swap3A_93 : vector<16xf32> to vector<16xf32>
    %swap3A_95 = vector.shape_cast %broadcast_in_dim3A_6 : vector<16xf32> to vector<16xf32>
    tpu.vector_store %arg11[%swap3A_92], %swap3A_95 {strides = array<i32>} : memref<640xf32, #tpu.memory_space<vmem>>, vector<16xf32>,
    %swap3A_96 = arith.constant 224 : index
    %swap3A_97 = tpu.vector_load %arg11[%swap3A_96] {strides = array<i32>} : memref<640xf32, #tpu.memory_space<vmem>>, vector<16xf32>,
    %swap3A_98 = vector.shape_cast %swap3A_97 : vector<16xf32> to vector<16xf32>
    %swap3A_99 = vector.shape_cast %broadcast_in_dim3A_6 : vector<16xf32> to vector<16xf32>
    tpu.vector_store %arg11[%swap3A_96], %swap3A_99 {strides = array<i32>} : memref<640xf32, #tpu.memory_space<vmem>>, vector<16xf32>,
    %swap3A_100 = arith.constant 240 : index
    %swap3A_101 = tpu.vector_load %arg11[%swap3A_100] {strides = array<i32>} : memref<640xf32, #tpu.memory_space<vmem>>, vector<16xf32>,
    %swap3A_102 = vector.shape_cast %swap3A_101 : vector<16xf32> to vector<16xf32>
    %swap3A_103 = vector.shape_cast %broadcast_in_dim3A_6 : vector<16xf32> to vector<16xf32>
    tpu.vector_store %arg11[%swap3A_100], %swap3A_103 {strides = array<i32>} : memref<640xf32, #tpu.memory_space<vmem>>, vector<16xf32>,
    %swap3A_104 = arith.constant 256 : index
    %swap3A_105 = tpu.vector_load %arg11[%swap3A_104] {strides = array<i32>} : memref<640xf32, #tpu.memory_space<vmem>>, vector<16xf32>,
    %swap3A_106 = vector.shape_cast %swap3A_105 : vector<16xf32> to vector<16xf32>
    %swap3A_107 = vector.shape_cast %broadcast_in_dim3A_6 : vector<16xf32> to vector<16xf32>
    tpu.vector_store %arg11[%swap3A_104], %swap3A_107 {strides = array<i32>} : memref<640xf32, #tpu.memory_space<vmem>>, vector<16xf32>,
    %swap3A_108 = arith.constant 272 : index
    %swap3A_109 = tpu.vector_load %arg11[%swap3A_108] {strides = array<i32>} : memref<640xf32, #tpu.memory_space<vmem>>, vector<16xf32>,
    %swap3A_110 = vector.shape_cast %swap3A_109 : vector<16xf32> to vector<16xf32>
    %swap3A_111 = vector.shape_cast %broadcast_in_dim3A_6 : vector<16xf32> to vector<16xf32>
    tpu.vector_store %arg11[%swap3A_108], %swap3A_111 {strides = array<i32>} : memref<640xf32, #tpu.memory_space<vmem>>, vector<16xf32>,
    %swap3A_112 = arith.constant 288 : index
    %swap3A_113 = tpu.vector_load %arg11[%swap3A_112] {strides = array<i32>} : memref<640xf32, #tpu.memory_space<vmem>>, vector<16xf32>,
    %swap3A_114 = vector.shape_cast %swap3A_113 : vector<16xf32> to vector<16xf32>
    %swap3A_115 = vector.shape_cast %broadcast_in_dim3A_6 : vector<16xf32> to vector<16xf32>
    tpu.vector_store %arg11[%swap3A_112], %swap3A_115 {strides = array<i32>} : memref<640xf32, #tpu.memory_space<vmem>>, vector<16xf32>,
    %swap3A_116 = arith.constant 304 : index
    %swap3A_117 = tpu.vector_load %arg11[%swap3A_116] {strides = array<i32>} : memref<640xf32, #tpu.memory_space<vmem>>, vector<16xf32>,
    %swap3A_118 = vector.shape_cast %swap3A_117 : vector<16xf32> to vector<16xf32>
    %swap3A_119 = vector.shape_cast %broadcast_in_dim3A_6 : vector<16xf32> to vector<16xf32>
    tpu.vector_store %arg11[%swap3A_116], %swap3A_119 {strides = array<i32>} : memref<640xf32, #tpu.memory_space<vmem>>, vector<16xf32>,
    %swap3A_120 = arith.constant 320 : index
    %swap3A_121 = tpu.vector_load %arg11[%swap3A_120] {strides = array<i32>} : memref<640xf32, #tpu.memory_space<vmem>>, vector<16xf32>,
    %swap3A_122 = vector.shape_cast %swap3A_121 : vector<16xf32> to vector<16xf32>
    %swap3A_123 = vector.shape_cast %broadcast_in_dim3A_6 : vector<16xf32> to vector<16xf32>
    tpu.vector_store %arg11[%swap3A_120], %swap3A_123 {strides = array<i32>} : memref<640xf32, #tpu.memory_space<vmem>>, vector<16xf32>,
    %swap3A_124 = arith.constant 336 : index
    %swap3A_125 = tpu.vector_load %arg11[%swap3A_124] {strides = array<i32>} : memref<640xf32, #tpu.memory_space<vmem>>, vector<16xf32>,
    %swap3A_126 = vector.shape_cast %swap3A_125 : vector<16xf32> to vector<16xf32>
    %swap3A_127 = vector.shape_cast %broadcast_in_dim3A_6 : vector<16xf32> to vector<16xf32>
    tpu.vector_store %arg11[%swap3A_124], %swap3A_127 {strides = array<i32>} : memref<640xf32, #tpu.memory_space<vmem>>, vector<16xf32>,
    %swap3A_128 = arith.constant 352 : index
    %swap3A_129 = tpu.vector_load %arg11[%swap3A_128] {strides = array<i32>} : memref<640xf32, #tpu.memory_space<vmem>>, vector<16xf32>,
    %swap3A_130 = vector.shape_cast %swap3A_129 : vector<16xf32> to vector<16xf32>
    %swap3A_131 = vector.shape_cast %broadcast_in_dim3A_6 : vector<16xf32> to vector<16xf32>
    tpu.vector_store %arg11[%swap3A_128], %swap3A_131 {strides = array<i32>} : memref<640xf32, #tpu.memory_space<vmem>>, vector<16xf32>,
    %swap3A_132 = arith.constant 368 : index
    %swap3A_133 = tpu.vector_load %arg11[%swap3A_132] {strides = array<i32>} : memref<640xf32, #tpu.memory_space<vmem>>, vector<16xf32>,
    %swap3A_134 = vector.shape_cast %swap3A_133 : vector<16xf32> to vector<16xf32>
    %swap3A_135 = vector.shape_cast %broadcast_in_dim3A_6 : vector<16xf32> to vector<16xf32>
    tpu.vector_store %arg11[%swap3A_132], %swap3A_135 {strides = array<i32>} : memref<640xf32, #tpu.memory_space<vmem>>, vector<16xf32>,
    %swap3A_136 = arith.constant 384 : index
    %swap3A_137 = tpu.vector_load %arg11[%swap3A_136] {strides = array<i32>} : memref<640xf32, #tpu.memory_space<vmem>>, vector<16xf32>,
    %swap3A_138 = vector.shape_cast %swap3A_137 : vector<16xf32> to vector<16xf32>
    %swap3A_139 = vector.shape_cast %broadcast_in_dim3A_6 : vector<16xf32> to vector<16xf32>
    tpu.vector_store %arg11[%swap3A_136], %swap3A_139 {strides = array<i32>} : memref<640xf32, #tpu.memory_space<vmem>>, vector<16xf32>,
    %swap3A_140 = arith.constant 400 : index
    %swap3A_141 = tpu.vector_load %arg11[%swap3A_140] {strides = array<i32>} : memref<640xf32, #tpu.memory_space<vmem>>, vector<16xf32>,
    %swap3A_142 = vector.shape_cast %swap3A_141 : vector<16xf32> to vector<16xf32>
    %swap3A_143 = vector.shape_cast %broadcast_in_dim3A_6 : vector<16xf32> to vector<16xf32>
    tpu.vector_store %arg11[%swap3A_140], %swap3A_143 {strides = array<i32>} : memref<640xf32, #tpu.memory_space<vmem>>, vector<16xf32>,
    %swap3A_144 = arith.constant 416 : index
    %swap3A_145 = tpu.vector_load %arg11[%swap3A_144] {strides = array<i32>} : memref<640xf32, #tpu.memory_space<vmem>>, vector<16xf32>,
    %swap3A_146 = vector.shape_cast %swap3A_145 : vector<16xf32> to vector<16xf32>
    %swap3A_147 = vector.shape_cast %broadcast_in_dim3A_6 : vector<16xf32> to vector<16xf32>
    tpu.vector_store %arg11[%swap3A_144], %swap3A_147 {strides = array<i32>} : memref<640xf32, #tpu.memory_space<vmem>>, vector<16xf32>,
    %swap3A_148 = arith.constant 432 : index
    %swap3A_149 = tpu.vector_load %arg11[%swap3A_148] {strides = array<i32>} : memref<640xf32, #tpu.memory_space<vmem>>, vector<16xf32>,
    %swap3A_150 = vector.shape_cast %swap3A_149 : vector<16xf32> to vector<16xf32>
    %swap3A_151 = vector.shape_cast %broadcast_in_dim3A_6 : vector<16xf32> to vector<16xf32>
    tpu.vector_store %arg11[%swap3A_148], %swap3A_151 {strides = array<i32>} : memref<640xf32, #tpu.memory_space<vmem>>, vector<16xf32>,
    %swap3A_152 = arith.constant 448 : index
    %swap3A_153 = tpu.vector_load %arg11[%swap3A_152] {strides = array<i32>} : memref<640xf32, #tpu.memory_space<vmem>>, vector<16xf32>,
    %swap3A_154 = vector.shape_cast %swap3A_153 : vector<16xf32> to vector<16xf32>
    %swap3A_155 = vector.shape_cast %broadcast_in_dim3A_6 : vector<16xf32> to vector<16xf32>
    tpu.vector_store %arg11[%swap3A_152], %swap3A_155 {strides = array<i32>} : memref<640xf32, #tpu.memory_space<vmem>>, vector<16xf32>,
    %swap3A_156 = arith.constant 464 : index
    %swap3A_157 = tpu.vector_load %arg11[%swap3A_156] {strides = array<i32>} : memref<640xf32, #tpu.memory_space<vmem>>, vector<16xf32>,
    %swap3A_158 = vector.shape_cast %swap3A_157 : vector<16xf32> to vector<16xf32>
    %swap3A_159 = vector.shape_cast %broadcast_in_dim3A_6 : vector<16xf32> to vector<16xf32>
    tpu.vector_store %arg11[%swap3A_156], %swap3A_159 {strides = array<i32>} : memref<640xf32, #tpu.memory_space<vmem>>, vector<16xf32>,
    %swap3A_160 = arith.constant 480 : index
    %swap3A_161 = tpu.vector_load %arg11[%swap3A_160] {strides = array<i32>} : memref<640xf32, #tpu.memory_space<vmem>>, vector<16xf32>,
    %swap3A_162 = vector.shape_cast %swap3A_161 : vector<16xf32> to vector<16xf32>
    %swap3A_163 = vector.shape_cast %broadcast_in_dim3A_6 : vector<16xf32> to vector<16xf32>
    tpu.vector_store %arg11[%swap3A_160], %swap3A_163 {strides = array<i32>} : memref<640xf32, #tpu.memory_space<vmem>>, vector<16xf32>,
    %swap3A_164 = arith.constant 496 : index
    %swap3A_165 = tpu.vector_load %arg11[%swap3A_164] {strides = array<i32>} : memref<640xf32, #tpu.memory_space<vmem>>, vector<16xf32>,
    %swap3A_166 = vector.shape_cast %swap3A_165 : vector<16xf32> to vector<16xf32>
    %swap3A_167 = vector.shape_cast %broadcast_in_dim3A_6 : vector<16xf32> to vector<16xf32>
    tpu.vector_store %arg11[%swap3A_164], %swap3A_167 {strides = array<i32>} : memref<640xf32, #tpu.memory_space<vmem>>, vector<16xf32>,
    %swap3A_168 = arith.constant 512 : index
    %swap3A_169 = tpu.vector_load %arg11[%swap3A_168] {strides = array<i32>} : memref<640xf32, #tpu.memory_space<vmem>>, vector<16xf32>,
    %swap3A_170 = vector.shape_cast %swap3A_169 : vector<16xf32> to vector<16xf32>
    %swap3A_171 = vector.shape_cast %broadcast_in_dim3A_6 : vector<16xf32> to vector<16xf32>
    tpu.vector_store %arg11[%swap3A_168], %swap3A_171 {strides = array<i32>} : memref<640xf32, #tpu.memory_space<vmem>>, vector<16xf32>,
    %swap3A_172 = arith.constant 528 : index
    %swap3A_173 = tpu.vector_load %arg11[%swap3A_172] {strides = array<i32>} : memref<640xf32, #tpu.memory_space<vmem>>, vector<16xf32>,
    %swap3A_174 = vector.shape_cast %swap3A_173 : vector<16xf32> to vector<16xf32>
    %swap3A_175 = vector.shape_cast %broadcast_in_dim3A_6 : vector<16xf32> to vector<16xf32>
    tpu.vector_store %arg11[%swap3A_172], %swap3A_175 {strides = array<i32>} : memref<640xf32, #tpu.memory_space<vmem>>, vector<16xf32>,
    %swap3A_176 = arith.constant 544 : index
    %swap3A_177 = tpu.vector_load %arg11[%swap3A_176] {strides = array<i32>} : memref<640xf32, #tpu.memory_space<vmem>>, vector<16xf32>,
    %swap3A_178 = vector.shape_cast %swap3A_177 : vector<16xf32> to vector<16xf32>
    %swap3A_179 = vector.shape_cast %broadcast_in_dim3A_6 : vector<16xf32> to vector<16xf32>
    tpu.vector_store %arg11[%swap3A_176], %swap3A_179 {strides = array<i32>} : memref<640xf32, #tpu.memory_space<vmem>>, vector<16xf32>,
    %swap3A_180 = arith.constant 560 : index
    %swap3A_181 = tpu.vector_load %arg11[%swap3A_180] {strides = array<i32>} : memref<640xf32, #tpu.memory_space<vmem>>, vector<16xf32>,
    %swap3A_182 = vector.shape_cast %swap3A_181 : vector<16xf32> to vector<16xf32>
    %swap3A_183 = vector.shape_cast %broadcast_in_dim3A_6 : vector<16xf32> to vector<16xf32>
    tpu.vector_store %arg11[%swap3A_180], %swap3A_183 {strides = array<i32>} : memref<640xf32, #tpu.memory_space<vmem>>, vector<16xf32>,
    %swap3A_184 = arith.constant 576 : index
    %swap3A_185 = tpu.vector_load %arg11[%swap3A_184] {strides = array<i32>} : memref<640xf32, #tpu.memory_space<vmem>>, vector<16xf32>,
    %swap3A_186 = vector.shape_cast %swap3A_185 : vector<16xf32> to vector<16xf32>
    %swap3A_187 = vector.shape_cast %broadcast_in_dim3A_6 : vector<16xf32> to vector<16xf32>
    tpu.vector_store %arg11[%swap3A_184], %swap3A_187 {strides = array<i32>} : memref<640xf32, #tpu.memory_space<vmem>>, vector<16xf32>,
    %swap3A_188 = arith.constant 592 : index
    %swap3A_189 = tpu.vector_load %arg11[%swap3A_188] {strides = array<i32>} : memref<640xf32, #tpu.memory_space<vmem>>, vector<16xf32>,
    %swap3A_190 = vector.shape_cast %swap3A_189 : vector<16xf32> to vector<16xf32>
    %swap3A_191 = vector.shape_cast %broadcast_in_dim3A_6 : vector<16xf32> to vector<16xf32>
    tpu.vector_store %arg11[%swap3A_188], %swap3A_191 {strides = array<i32>} : memref<640xf32, #tpu.memory_space<vmem>>, vector<16xf32>,
    %swap3A_192 = arith.constant 608 : index
    %swap3A_193 = tpu.vector_load %arg11[%swap3A_192] {strides = array<i32>} : memref<640xf32, #tpu.memory_space<vmem>>, vector<16xf32>,
    %swap3A_194 = vector.shape_cast %swap3A_193 : vector<16xf32> to vector<16xf32>
    %swap3A_195 = vector.shape_cast %broadcast_in_dim3A_6 : vector<16xf32> to vector<16xf32>
    tpu.vector_store %arg11[%swap3A_192], %swap3A_195 {strides = array<i32>} : memref<640xf32, #tpu.memory_space<vmem>>, vector<16xf32>,
    %swap3A_196 = arith.constant 624 : index
    %swap3A_197 = tpu.vector_load %arg11[%swap3A_196] {strides = array<i32>} : memref<640xf32, #tpu.memory_space<vmem>>, vector<16xf32>,
    %swap3A_198 = vector.shape_cast %swap3A_197 : vector<16xf32> to vector<16xf32>
    %swap3A_199 = vector.shape_cast %broadcast_in_dim3A_6 : vector<16xf32> to vector<16xf32>
    tpu.vector_store %arg11[%swap3A_196], %swap3A_199 {strides = array<i32>} : memref<640xf32, #tpu.memory_space<vmem>>, vector<16xf32>,
    %scan3A = arith.constant 0 : i32
    %scan3A_200 = arith.constant 0 : i32
    %scan3A_201 = arith.constant 128 : i32
    %scan3A_202 = arith.addi %scan3A_200, %scan3A_201 : i32
    %scan3A_203 = arith.constant 1 : i32
    scf.for %scan3A_242 = %scan3A_200 to %scan3A_202 step %scan3A_203  : i32 {
      %swap3A_243 = arith.index_cast %scan3A_242 : i32 to index
      %swap3A_244 = arith.constant 0 : index
      %swap3A_245 = tpu.vector_load %arg9[%swap3A_243, %swap3A_244] {strides = array<i32>} : memref<128x128xf32, #tpu.memory_space<vmem>>, vector<1x16xf32>,
      %swap3A_246 = vector.shape_cast %swap3A_245 : vector<1x16xf32> to vector<16xf32>
      %swap3A_247 = vector.shape_cast %broadcast_in_dim3A_6 : vector<16xf32> to vector<1x16xf32>
      tpu.vector_store %arg9[%swap3A_243, %swap3A_244], %swap3A_247 {strides = array<i32>} : memref<128x128xf32, #tpu.memory_space<vmem>>, vector<1x16xf32>,
      %swap3A_248 = arith.index_cast %scan3A_242 : i32 to index
      %swap3A_249 = arith.constant 16 : index
      %swap3A_250 = tpu.vector_load %arg9[%swap3A_248, %swap3A_249] {strides = array<i32>} : memref<128x128xf32, #tpu.memory_space<vmem>>, vector<1x16xf32>,
      %swap3A_251 = vector.shape_cast %swap3A_250 : vector<1x16xf32> to vector<16xf32>
      %swap3A_252 = vector.shape_cast %broadcast_in_dim3A_6 : vector<16xf32> to vector<1x16xf32>
      tpu.vector_store %arg9[%swap3A_248, %swap3A_249], %swap3A_252 {strides = array<i32>} : memref<128x128xf32, #tpu.memory_space<vmem>>, vector<1x16xf32>,
      %swap3A_253 = arith.index_cast %scan3A_242 : i32 to index
      %swap3A_254 = arith.constant 32 : index
      %swap3A_255 = tpu.vector_load %arg9[%swap3A_253, %swap3A_254] {strides = array<i32>} : memref<128x128xf32, #tpu.memory_space<vmem>>, vector<1x16xf32>,
      %swap3A_256 = vector.shape_cast %swap3A_255 : vector<1x16xf32> to vector<16xf32>
      %swap3A_257 = vector.shape_cast %broadcast_in_dim3A_6 : vector<16xf32> to vector<1x16xf32>
      tpu.vector_store %arg9[%swap3A_253, %swap3A_254], %swap3A_257 {strides = array<i32>} : memref<128x128xf32, #tpu.memory_space<vmem>>, vector<1x16xf32>,
      %swap3A_258 = arith.index_cast %scan3A_242 : i32 to index
      %swap3A_259 = arith.constant 48 : index
      %swap3A_260 = tpu.vector_load %arg9[%swap3A_258, %swap3A_259] {strides = array<i32>} : memref<128x128xf32, #tpu.memory_space<vmem>>, vector<1x16xf32>,
      %swap3A_261 = vector.shape_cast %swap3A_260 : vector<1x16xf32> to vector<16xf32>
      %swap3A_262 = vector.shape_cast %broadcast_in_dim3A_6 : vector<16xf32> to vector<1x16xf32>
      tpu.vector_store %arg9[%swap3A_258, %swap3A_259], %swap3A_262 {strides = array<i32>} : memref<128x128xf32, #tpu.memory_space<vmem>>, vector<1x16xf32>,
      %swap3A_263 = arith.index_cast %scan3A_242 : i32 to index
      %swap3A_264 = arith.constant 64 : index
      %swap3A_265 = tpu.vector_load %arg9[%swap3A_263, %swap3A_264] {strides = array<i32>} : memref<128x128xf32, #tpu.memory_space<vmem>>, vector<1x16xf32>,
      %swap3A_266 = vector.shape_cast %swap3A_265 : vector<1x16xf32> to vector<16xf32>
      %swap3A_267 = vector.shape_cast %broadcast_in_dim3A_6 : vector<16xf32> to vector<1x16xf32>
      tpu.vector_store %arg9[%swap3A_263, %swap3A_264], %swap3A_267 {strides = array<i32>} : memref<128x128xf32, #tpu.memory_space<vmem>>, vector<1x16xf32>,
      %swap3A_268 = arith.index_cast %scan3A_242 : i32 to index
      %swap3A_269 = arith.constant 80 : index
      %swap3A_270 = tpu.vector_load %arg9[%swap3A_268, %swap3A_269] {strides = array<i32>} : memref<128x128xf32, #tpu.memory_space<vmem>>, vector<1x16xf32>,
      %swap3A_271 = vector.shape_cast %swap3A_270 : vector<1x16xf32> to vector<16xf32>
      %swap3A_272 = vector.shape_cast %broadcast_in_dim3A_6 : vector<16xf32> to vector<1x16xf32>
      tpu.vector_store %arg9[%swap3A_268, %swap3A_269], %swap3A_272 {strides = array<i32>} : memref<128x128xf32, #tpu.memory_space<vmem>>, vector<1x16xf32>,
      %swap3A_273 = arith.index_cast %scan3A_242 : i32 to index
      %swap3A_274 = arith.constant 96 : index
      %swap3A_275 = tpu.vector_load %arg9[%swap3A_273, %swap3A_274] {strides = array<i32>} : memref<128x128xf32, #tpu.memory_space<vmem>>, vector<1x16xf32>,
      %swap3A_276 = vector.shape_cast %swap3A_275 : vector<1x16xf32> to vector<16xf32>
      %swap3A_277 = vector.shape_cast %broadcast_in_dim3A_6 : vector<16xf32> to vector<1x16xf32>
      tpu.vector_store %arg9[%swap3A_273, %swap3A_274], %swap3A_277 {strides = array<i32>} : memref<128x128xf32, #tpu.memory_space<vmem>>, vector<1x16xf32>,
      %swap3A_278 = arith.index_cast %scan3A_242 : i32 to index
      %swap3A_279 = arith.constant 112 : index
      %swap3A_280 = tpu.vector_load %arg9[%swap3A_278, %swap3A_279] {strides = array<i32>} : memref<128x128xf32, #tpu.memory_space<vmem>>, vector<1x16xf32>,
      %swap3A_281 = vector.shape_cast %swap3A_280 : vector<1x16xf32> to vector<16xf32>
      %swap3A_282 = vector.shape_cast %broadcast_in_dim3A_6 : vector<16xf32> to vector<1x16xf32>
      tpu.vector_store %arg9[%swap3A_278, %swap3A_279], %swap3A_282 {strides = array<i32>} : memref<128x128xf32, #tpu.memory_space<vmem>>, vector<1x16xf32>,
    }
    %scan3A_204 = arith.constant 128 : i32
    %mul3A = arith.constant 626 : i32
    %mul3A_205 = arith.muli %arg1, %mul3A : i32
    %add3A = arith.constant 0 : i32
    %add3A_206 = arith.addi %mul3A_205, %add3A : i32
    "tpu.region"() ({
      %run_scoped3A = tpu.sem_alloc : memref<!tpu.dma_semaphore, #tpu.memory_space<semaphore_mem>>
      %dma_start3A = arith.constant 0 : i32
      %dma_start3A_242 = tpu.memref_slice %arg12[%add3A_206, %dma_start3A] : memref<10016x128xf32, #tpu.memory_space<vmem_shared>> -> memref<128x128xf32, #tpu.memory_space<vmem_shared>>
      %dma_start3A_243 = arith.constant 0 : i32
      %dma_start3A_244 = tpu.memref_slice %arg12[%add3A_206, %dma_start3A_243] : memref<10016x128xf32, #tpu.memory_space<vmem_shared>> -> memref<128x128xf32, #tpu.memory_space<vmem_shared>>
      tpu.enqueue_dma source(%arg9 : memref<128x128xf32, #tpu.memory_space<vmem>>) target(%dma_start3A_244 : memref<128x128xf32, #tpu.memory_space<vmem_shared>>) target_semaphore(%run_scoped3A : memref<!tpu.dma_semaphore, #tpu.memory_space<semaphore_mem>>)
      %dma_wait3A = arith.constant 0 : i32
      %dma_wait3A_245 = tpu.memref_slice %arg12[%add3A_206, %dma_wait3A] : memref<10016x128xf32, #tpu.memory_space<vmem_shared>> -> memref<128x128xf32, #tpu.memory_space<vmem_shared>>
      %dma_wait3A_246 = arith.constant 0 : i32
      %dma_wait3A_247 = tpu.memref_slice %arg12[%add3A_206, %dma_wait3A_246] : memref<10016x128xf32, #tpu.memory_space<vmem_shared>> -> memref<128x128xf32, #tpu.memory_space<vmem_shared>>
      tpu.wait_dma2 semaphore(%run_scoped3A : memref<!tpu.dma_semaphore, #tpu.memory_space<semaphore_mem>>) src(%arg9 : memref<128x128xf32, #tpu.memory_space<vmem>>) dst(%dma_wait3A_247 : memref<128x128xf32, #tpu.memory_space<vmem_shared>>)
      tpu.yield
    }) : () -> ()
    %add3A_207 = arith.constant 128 : i32
    %add3A_208 = arith.addi %mul3A_205, %add3A_207 : i32
    "tpu.region"() ({
      %run_scoped3A = tpu.sem_alloc : memref<!tpu.dma_semaphore, #tpu.memory_space<semaphore_mem>>
      %dma_start3A = arith.constant 0 : i32
      %dma_start3A_242 = tpu.memref_slice %arg12[%add3A_208, %dma_start3A] : memref<10016x128xf32, #tpu.memory_space<vmem_shared>> -> memref<128x128xf32, #tpu.memory_space<vmem_shared>>
      %dma_start3A_243 = arith.constant 0 : i32
      %dma_start3A_244 = tpu.memref_slice %arg12[%add3A_208, %dma_start3A_243] : memref<10016x128xf32, #tpu.memory_space<vmem_shared>> -> memref<128x128xf32, #tpu.memory_space<vmem_shared>>
      tpu.enqueue_dma source(%arg9 : memref<128x128xf32, #tpu.memory_space<vmem>>) target(%dma_start3A_244 : memref<128x128xf32, #tpu.memory_space<vmem_shared>>) target_semaphore(%run_scoped3A : memref<!tpu.dma_semaphore, #tpu.memory_space<semaphore_mem>>)
      %dma_wait3A = arith.constant 0 : i32
      %dma_wait3A_245 = tpu.memref_slice %arg12[%add3A_208, %dma_wait3A] : memref<10016x128xf32, #tpu.memory_space<vmem_shared>> -> memref<128x128xf32, #tpu.memory_space<vmem_shared>>
      %dma_wait3A_246 = arith.constant 0 : i32
      %dma_wait3A_247 = tpu.memref_slice %arg12[%add3A_208, %dma_wait3A_246] : memref<10016x128xf32, #tpu.memory_space<vmem_shared>> -> memref<128x128xf32, #tpu.memory_space<vmem_shared>>
      tpu.wait_dma2 semaphore(%run_scoped3A : memref<!tpu.dma_semaphore, #tpu.memory_space<semaphore_mem>>) src(%arg9 : memref<128x128xf32, #tpu.memory_space<vmem>>) dst(%dma_wait3A_247 : memref<128x128xf32, #tpu.memory_space<vmem_shared>>)
      tpu.yield
    }) : () -> ()
    %add3A_209 = arith.constant 256 : i32
    %add3A_210 = arith.addi %mul3A_205, %add3A_209 : i32
    "tpu.region"() ({
      %run_scoped3A = tpu.sem_alloc : memref<!tpu.dma_semaphore, #tpu.memory_space<semaphore_mem>>
      %dma_start3A = arith.constant 0 : i32
      %dma_start3A_242 = tpu.memref_slice %arg12[%add3A_210, %dma_start3A] : memref<10016x128xf32, #tpu.memory_space<vmem_shared>> -> memref<128x128xf32, #tpu.memory_space<vmem_shared>>
      %dma_start3A_243 = arith.constant 0 : i32
      %dma_start3A_244 = tpu.memref_slice %arg12[%add3A_210, %dma_start3A_243] : memref<10016x128xf32, #tpu.memory_space<vmem_shared>> -> memref<128x128xf32, #tpu.memory_space<vmem_shared>>
      tpu.enqueue_dma source(%arg9 : memref<128x128xf32, #tpu.memory_space<vmem>>) target(%dma_start3A_244 : memref<128x128xf32, #tpu.memory_space<vmem_shared>>) target_semaphore(%run_scoped3A : memref<!tpu.dma_semaphore, #tpu.memory_space<semaphore_mem>>)
      %dma_wait3A = arith.constant 0 : i32
      %dma_wait3A_245 = tpu.memref_slice %arg12[%add3A_210, %dma_wait3A] : memref<10016x128xf32, #tpu.memory_space<vmem_shared>> -> memref<128x128xf32, #tpu.memory_space<vmem_shared>>
      %dma_wait3A_246 = arith.constant 0 : i32
      %dma_wait3A_247 = tpu.memref_slice %arg12[%add3A_210, %dma_wait3A_246] : memref<10016x128xf32, #tpu.memory_space<vmem_shared>> -> memref<128x128xf32, #tpu.memory_space<vmem_shared>>
      tpu.wait_dma2 semaphore(%run_scoped3A : memref<!tpu.dma_semaphore, #tpu.memory_space<semaphore_mem>>) src(%arg9 : memref<128x128xf32, #tpu.memory_space<vmem>>) dst(%dma_wait3A_247 : memref<128x128xf32, #tpu.memory_space<vmem_shared>>)
      tpu.yield
    }) : () -> ()
    %add3A_211 = arith.constant 384 : i32
    %add3A_212 = arith.addi %mul3A_205, %add3A_211 : i32
    "tpu.region"() ({
      %run_scoped3A = tpu.sem_alloc : memref<!tpu.dma_semaphore, #tpu.memory_space<semaphore_mem>>
      %dma_start3A = arith.constant 0 : i32
      %dma_start3A_242 = tpu.memref_slice %arg12[%add3A_212, %dma_start3A] : memref<10016x128xf32, #tpu.memory_space<vmem_shared>> -> memref<128x128xf32, #tpu.memory_space<vmem_shared>>
      %dma_start3A_243 = arith.constant 0 : i32
      %dma_start3A_244 = tpu.memref_slice %arg12[%add3A_212, %dma_start3A_243] : memref<10016x128xf32, #tpu.memory_space<vmem_shared>> -> memref<128x128xf32, #tpu.memory_space<vmem_shared>>
      tpu.enqueue_dma source(%arg9 : memref<128x128xf32, #tpu.memory_space<vmem>>) target(%dma_start3A_244 : memref<128x128xf32, #tpu.memory_space<vmem_shared>>) target_semaphore(%run_scoped3A : memref<!tpu.dma_semaphore, #tpu.memory_space<semaphore_mem>>)
      %dma_wait3A = arith.constant 0 : i32
      %dma_wait3A_245 = tpu.memref_slice %arg12[%add3A_212, %dma_wait3A] : memref<10016x128xf32, #tpu.memory_space<vmem_shared>> -> memref<128x128xf32, #tpu.memory_space<vmem_shared>>
      %dma_wait3A_246 = arith.constant 0 : i32
      %dma_wait3A_247 = tpu.memref_slice %arg12[%add3A_212, %dma_wait3A_246] : memref<10016x128xf32, #tpu.memory_space<vmem_shared>> -> memref<128x128xf32, #tpu.memory_space<vmem_shared>>
      tpu.wait_dma2 semaphore(%run_scoped3A : memref<!tpu.dma_semaphore, #tpu.memory_space<semaphore_mem>>) src(%arg9 : memref<128x128xf32, #tpu.memory_space<vmem>>) dst(%dma_wait3A_247 : memref<128x128xf32, #tpu.memory_space<vmem_shared>>)
      tpu.yield
    }) : () -> ()
    %add3A_213 = arith.constant 512 : i32
    %add3A_214 = arith.addi %mul3A_205, %add3A_213 : i32
    "tpu.region"() ({
      %run_scoped3A = tpu.sem_alloc : memref<!tpu.dma_semaphore, #tpu.memory_space<semaphore_mem>>
      %dma_start3A = arith.constant 0 : i32
      %dma_start3A_242 = arith.constant 0 : i32
      %dma_start3A_243 = tpu.memref_slice %arg9[%dma_start3A, %dma_start3A_242] : memref<128x128xf32, #tpu.memory_space<vmem>> -> memref<114x128xf32, #tpu.memory_space<vmem>>
      %dma_start3A_244 = arith.constant 0 : i32
      %dma_start3A_245 = tpu.memref_slice %arg12[%add3A_214, %dma_start3A_244] : memref<10016x128xf32, #tpu.memory_space<vmem_shared>> -> memref<114x128xf32, #tpu.memory_space<vmem_shared>>
      %dma_start3A_246 = arith.constant 0 : i32
      %dma_start3A_247 = tpu.memref_slice %arg12[%add3A_214, %dma_start3A_246] : memref<10016x128xf32, #tpu.memory_space<vmem_shared>> -> memref<114x128xf32, #tpu.memory_space<vmem_shared>>
      %dma_start3A_248 = arith.constant 0 : i32
      %dma_start3A_249 = arith.constant 0 : i32
      %dma_start3A_250 = tpu.memref_slice %arg9[%dma_start3A_248, %dma_start3A_249] : memref<128x128xf32, #tpu.memory_space<vmem>> -> memref<114x128xf32, #tpu.memory_space<vmem>>
      tpu.enqueue_dma source(%dma_start3A_250 : memref<114x128xf32, #tpu.memory_space<vmem>>) target(%dma_start3A_247 : memref<114x128xf32, #tpu.memory_space<vmem_shared>>) target_semaphore(%run_scoped3A : memref<!tpu.dma_semaphore, #tpu.memory_space<semaphore_mem>>)
      %dma_wait3A = arith.constant 0 : i32
      %dma_wait3A_251 = arith.constant 0 : i32
      %dma_wait3A_252 = tpu.memref_slice %arg9[%dma_wait3A, %dma_wait3A_251] : memref<128x128xf32, #tpu.memory_space<vmem>> -> memref<114x128xf32, #tpu.memory_space<vmem>>
      %dma_wait3A_253 = arith.constant 0 : i32
      %dma_wait3A_254 = tpu.memref_slice %arg12[%add3A_214, %dma_wait3A_253] : memref<10016x128xf32, #tpu.memory_space<vmem_shared>> -> memref<114x128xf32, #tpu.memory_space<vmem_shared>>
      %dma_wait3A_255 = arith.constant 0 : i32
      %dma_wait3A_256 = tpu.memref_slice %arg12[%add3A_214, %dma_wait3A_255] : memref<10016x128xf32, #tpu.memory_space<vmem_shared>> -> memref<114x128xf32, #tpu.memory_space<vmem_shared>>
      %dma_wait3A_257 = arith.constant 0 : i32
      %dma_wait3A_258 = arith.constant 0 : i32
      %dma_wait3A_259 = tpu.memref_slice %arg9[%dma_wait3A_257, %dma_wait3A_258] : memref<128x128xf32, #tpu.memory_space<vmem>> -> memref<114x128xf32, #tpu.memory_space<vmem>>
      tpu.wait_dma2 semaphore(%run_scoped3A : memref<!tpu.dma_semaphore, #tpu.memory_space<semaphore_mem>>) src(%dma_wait3A_259 : memref<114x128xf32, #tpu.memory_space<vmem>>) dst(%dma_wait3A_256 : memref<114x128xf32, #tpu.memory_space<vmem_shared>>)
      tpu.yield
    }) : () -> ()
    %mul3A_215 = arith.constant 632 : i32
    %mul3A_216 = arith.muli %arg1, %mul3A_215 : i32
    "tpu.region"() ({
      %run_scoped3A = tpu.sem_alloc : memref<!tpu.dma_semaphore, #tpu.memory_space<semaphore_mem>>
      %dma_start3A = arith.constant 0 : i32
      %dma_start3A_242 = tpu.memref_slice %arg11[%dma_start3A] : memref<640xf32, #tpu.memory_space<vmem>> -> memref<632xf32, #tpu.memory_space<vmem>>
      %dma_start3A_243 = tpu.memref_slice %arg13[%mul3A_216] : memref<10112xf32, #tpu.memory_space<vmem_shared>> -> memref<632xf32, #tpu.memory_space<vmem_shared>>
      %dma_start3A_244 = tpu.memref_slice %arg13[%mul3A_216] : memref<10112xf32, #tpu.memory_space<vmem_shared>> -> memref<632xf32, #tpu.memory_space<vmem_shared>>
      %dma_start3A_245 = arith.constant 0 : i32
      %dma_start3A_246 = tpu.memref_slice %arg11[%dma_start3A_245] : memref<640xf32, #tpu.memory_space<vmem>> -> memref<632xf32, #tpu.memory_space<vmem>>
      tpu.enqueue_dma source(%dma_start3A_246 : memref<632xf32, #tpu.memory_space<vmem>>) target(%dma_start3A_244 : memref<632xf32, #tpu.memory_space<vmem_shared>>) target_semaphore(%run_scoped3A : memref<!tpu.dma_semaphore, #tpu.memory_space<semaphore_mem>>)
      %dma_wait3A = arith.constant 0 : i32
      %dma_wait3A_247 = tpu.memref_slice %arg11[%dma_wait3A] : memref<640xf32, #tpu.memory_space<vmem>> -> memref<632xf32, #tpu.memory_space<vmem>>
      %dma_wait3A_248 = tpu.memref_slice %arg13[%mul3A_216] : memref<10112xf32, #tpu.memory_space<vmem_shared>> -> memref<632xf32, #tpu.memory_space<vmem_shared>>
      %dma_wait3A_249 = tpu.memref_slice %arg13[%mul3A_216] : memref<10112xf32, #tpu.memory_space<vmem_shared>> -> memref<632xf32, #tpu.memory_space<vmem_shared>>
      %dma_wait3A_250 = arith.constant 0 : i32
      %dma_wait3A_251 = tpu.memref_slice %arg11[%dma_wait3A_250] : memref<640xf32, #tpu.memory_space<vmem>> -> memref<632xf32, #tpu.memory_space<vmem>>
      tpu.wait_dma2 semaphore(%run_scoped3A : memref<!tpu.dma_semaphore, #tpu.memory_space<semaphore_mem>>) src(%dma_wait3A_251 : memref<632xf32, #tpu.memory_space<vmem>>) dst(%dma_wait3A_249 : memref<632xf32, #tpu.memory_space<vmem_shared>>)
      tpu.yield
    }) : () -> ()
    "tpu.region"() ({
      %run_scoped3A = tpu.sem_alloc : memref<!tpu.dma_semaphore, #tpu.memory_space<semaphore_mem>>
      %dma_start3A = arith.constant 0 : i32
      %dma_start3A_242 = arith.constant 0 : i32
      %dma_start3A_243 = tpu.memref_slice %arg3[%arg0, %arg1, %dma_start3A, %dma_start3A_242] : memref<2x16x79x128xi32, #tpu.memory_space<hbm>> -> memref<1x1x79x128xi32, #tpu.memory_space<hbm>>
      %dma_start3A_244 = tpu.memref_squeeze %dma_start3A_243 : memref<1x1x79x128xi32, #tpu.memory_space<hbm>> -> memref<79x128xi32, #tpu.memory_space<hbm>>
      %dma_start3A_245 = arith.constant 0 : i32
      %dma_start3A_246 = arith.constant 0 : i32
      %dma_start3A_247 = tpu.memref_slice %arg3[%arg0, %arg1, %dma_start3A_245, %dma_start3A_246] : memref<2x16x79x128xi32, #tpu.memory_space<hbm>> -> memref<1x1x79x128xi32, #tpu.memory_space<hbm>>
      %dma_start3A_248 = tpu.memref_squeeze %dma_start3A_247 : memref<1x1x79x128xi32, #tpu.memory_space<hbm>> -> memref<79x128xi32, #tpu.memory_space<hbm>>
      tpu.enqueue_dma source(%dma_start3A_248 : memref<79x128xi32, #tpu.memory_space<hbm>>) target(%arg7 : memref<79x128xi32, #tpu.memory_space<vmem>>) target_semaphore(%run_scoped3A : memref<!tpu.dma_semaphore, #tpu.memory_space<semaphore_mem>>)
      %dma_wait3A = arith.constant 0 : i32
      %dma_wait3A_249 = arith.constant 0 : i32
      %dma_wait3A_250 = tpu.memref_slice %arg3[%arg0, %arg1, %dma_wait3A, %dma_wait3A_249] : memref<2x16x79x128xi32, #tpu.memory_space<hbm>> -> memref<1x1x79x128xi32, #tpu.memory_space<hbm>>
      %dma_wait3A_251 = tpu.memref_squeeze %dma_wait3A_250 : memref<1x1x79x128xi32, #tpu.memory_space<hbm>> -> memref<79x128xi32, #tpu.memory_space<hbm>>
      %dma_wait3A_252 = arith.constant 0 : i32
      %dma_wait3A_253 = arith.constant 0 : i32
      %dma_wait3A_254 = tpu.memref_slice %arg3[%arg0, %arg1, %dma_wait3A_252, %dma_wait3A_253] : memref<2x16x79x128xi32, #tpu.memory_space<hbm>> -> memref<1x1x79x128xi32, #tpu.memory_space<hbm>>
      %dma_wait3A_255 = tpu.memref_squeeze %dma_wait3A_254 : memref<1x1x79x128xi32, #tpu.memory_space<hbm>> -> memref<79x128xi32, #tpu.memory_space<hbm>>
      tpu.wait_dma2 semaphore(%run_scoped3A : memref<!tpu.dma_semaphore, #tpu.memory_space<semaphore_mem>>) src(%dma_wait3A_255 : memref<79x128xi32, #tpu.memory_space<hbm>>) dst(%arg7 : memref<79x128xi32, #tpu.memory_space<vmem>>)
      tpu.yield
    }) : () -> ()
    "tpu.region"() ({
      %run_scoped3A = tpu.sem_alloc : memref<!tpu.dma_semaphore, #tpu.memory_space<semaphore_mem>>
      %dma_start3A = arith.constant 0 : i32
      %dma_start3A_242 = arith.constant 0 : i32
      %dma_start3A_243 = tpu.memref_slice %arg4[%arg1, %dma_start3A, %dma_start3A_242] : memref<16x79x128xi32, #tpu.memory_space<hbm>> -> memref<1x79x128xi32, #tpu.memory_space<hbm>>
      %dma_start3A_244 = tpu.memref_squeeze %dma_start3A_243 : memref<1x79x128xi32, #tpu.memory_space<hbm>> -> memref<79x128xi32, #tpu.memory_space<hbm>>
      %dma_start3A_245 = arith.constant 0 : i32
      %dma_start3A_246 = arith.constant 0 : i32
      %dma_start3A_247 = tpu.memref_slice %arg4[%arg1, %dma_start3A_245, %dma_start3A_246] : memref<16x79x128xi32, #tpu.memory_space<hbm>> -> memref<1x79x128xi32, #tpu.memory_space<hbm>>
      %dma_start3A_248 = tpu.memref_squeeze %dma_start3A_247 : memref<1x79x128xi32, #tpu.memory_space<hbm>> -> memref<79x128xi32, #tpu.memory_space<hbm>>
      tpu.enqueue_dma source(%dma_start3A_248 : memref<79x128xi32, #tpu.memory_space<hbm>>) target(%arg8 : memref<79x128xi32, #tpu.memory_space<vmem>>) target_semaphore(%run_scoped3A : memref<!tpu.dma_semaphore, #tpu.memory_space<semaphore_mem>>)
      %dma_wait3A = arith.constant 0 : i32
      %dma_wait3A_249 = arith.constant 0 : i32
      %dma_wait3A_250 = tpu.memref_slice %arg4[%arg1, %dma_wait3A, %dma_wait3A_249] : memref<16x79x128xi32, #tpu.memory_space<hbm>> -> memref<1x79x128xi32, #tpu.memory_space<hbm>>
      %dma_wait3A_251 = tpu.memref_squeeze %dma_wait3A_250 : memref<1x79x128xi32, #tpu.memory_space<hbm>> -> memref<79x128xi32, #tpu.memory_space<hbm>>
      %dma_wait3A_252 = arith.constant 0 : i32
      %dma_wait3A_253 = arith.constant 0 : i32
      %dma_wait3A_254 = tpu.memref_slice %arg4[%arg1, %dma_wait3A_252, %dma_wait3A_253] : memref<16x79x128xi32, #tpu.memory_space<hbm>> -> memref<1x79x128xi32, #tpu.memory_space<hbm>>
      %dma_wait3A_255 = tpu.memref_squeeze %dma_wait3A_254 : memref<1x79x128xi32, #tpu.memory_space<hbm>> -> memref<79x128xi32, #tpu.memory_space<hbm>>
      tpu.wait_dma2 semaphore(%run_scoped3A : memref<!tpu.dma_semaphore, #tpu.memory_space<semaphore_mem>>) src(%dma_wait3A_255 : memref<79x128xi32, #tpu.memory_space<hbm>>) dst(%arg8 : memref<79x128xi32, #tpu.memory_space<vmem>>)
      tpu.yield
    }) : () -> ()
    %barrier3A = arith.constant 0 : index
    tpu.barrier barrier_id(%barrier3A)
    %scan3A_217 = arith.constant 0 : i32
    %scan3A_218 = arith.constant 0 : i32
    %scan3A_219 = arith.constant 79 : i32
    %scan3A_220 = arith.addi %scan3A_218, %scan3A_219 : i32
    %scan3A_221 = arith.constant 1 : i32
    scf.for %scan3A_242 = %scan3A_218 to %scan3A_220 step %scan3A_221  : i32 {
      %dma_start3A = arith.constant 0 : i32
      %dma_start3A_243 = tpu.memref_slice %arg7[%scan3A_242, %dma_start3A] : memref<79x128xi32, #tpu.memory_space<vmem>> -> memref<1x128xi32, #tpu.memory_space<vmem>>
      %dma_start3A_244 = tpu.memref_squeeze %dma_start3A_243 : memref<1x128xi32, #tpu.memory_space<vmem>> -> memref<128xi32, #tpu.memory_space<vmem>>
      %dma_start3A_245 = arith.constant 0 : i32
      %dma_start3A_246 = arith.constant 0 : i32
      %dma_start3A_247 = tpu.memref_slice %arg2[%dma_start3A_245, %dma_start3A_246] : memref<20000x128xf32, #tpu.memory_space<hbm>> -> memref<20000x128xf32, #tpu.memory_space<hbm>>
      tpu.enqueue_indirect_dma source(%dma_start3A_247 : memref<20000x128xf32, #tpu.memory_space<hbm>>) target(%arg9 : memref<128x128xf32, #tpu.memory_space<vmem>>) offsets(%dma_start3A_244 : memref<128xi32, #tpu.memory_space<vmem>>) semaphore(%arg14 : memref<!tpu.dma_semaphore, #tpu.memory_space<semaphore_mem>>)
      %dma_wait3A = arith.constant 0 : i32
      %dma_wait3A_248 = tpu.memref_slice %arg7[%scan3A_242, %dma_wait3A] : memref<79x128xi32, #tpu.memory_space<vmem>> -> memref<1x128xi32, #tpu.memory_space<vmem>>
      %dma_wait3A_249 = tpu.memref_squeeze %dma_wait3A_248 : memref<1x128xi32, #tpu.memory_space<vmem>> -> memref<128xi32, #tpu.memory_space<vmem>>
      %dma_wait3A_250 = arith.constant 0 : i32
      %dma_wait3A_251 = arith.constant 0 : i32
      %dma_wait3A_252 = tpu.memref_slice %arg2[%dma_wait3A_250, %dma_wait3A_251] : memref<20000x128xf32, #tpu.memory_space<hbm>> -> memref<20000x128xf32, #tpu.memory_space<hbm>>
      tpu.wait_indirect_dma semaphore(%arg14 : memref<!tpu.dma_semaphore, #tpu.memory_space<semaphore_mem>>) src(%dma_wait3A_252 : memref<20000x128xf32, #tpu.memory_space<hbm>>) dst(%arg9 : memref<128x128xf32, #tpu.memory_space<vmem>>)
      "tpu.region"() ({
        %run_scoped3A = tpu.sem_alloc : memref<!tpu.dma_semaphore, #tpu.memory_space<semaphore_mem>>
        %dma_start3A_256 = arith.constant 0 : i32
        %dma_start3A_257 = tpu.memref_slice %arg8[%scan3A_242, %dma_start3A_256] : memref<79x128xi32, #tpu.memory_space<vmem>> -> memref<1x128xi32, #tpu.memory_space<vmem>>
        %dma_start3A_258 = tpu.memref_squeeze %dma_start3A_257 : memref<1x128xi32, #tpu.memory_space<vmem>> -> memref<128xi32, #tpu.memory_space<vmem>>
        %dma_start3A_259 = arith.constant 0 : i32
        %dma_start3A_260 = arith.constant 0 : i32
        %dma_start3A_261 = tpu.memref_slice %arg12[%dma_start3A_259, %dma_start3A_260] : memref<10016x128xf32, #tpu.memory_space<vmem_shared>> -> memref<10016x128xf32, #tpu.memory_space<vmem_shared>>
        tpu.enqueue_indirect_dma source(%arg9 : memref<128x128xf32, #tpu.memory_space<vmem>>) target(%dma_start3A_261 : memref<10016x128xf32, #tpu.memory_space<vmem_shared>>) offsets(%dma_start3A_258 : memref<128xi32, #tpu.memory_space<vmem>>) semaphore(%run_scoped3A : memref<!tpu.dma_semaphore, #tpu.memory_space<semaphore_mem>>) {add = true}
        %dma_wait3A_262 = arith.constant 0 : i32
        %dma_wait3A_263 = tpu.memref_slice %arg8[%scan3A_242, %dma_wait3A_262] : memref<79x128xi32, #tpu.memory_space<vmem>> -> memref<1x128xi32, #tpu.memory_space<vmem>>
        %dma_wait3A_264 = tpu.memref_squeeze %dma_wait3A_263 : memref<1x128xi32, #tpu.memory_space<vmem>> -> memref<128xi32, #tpu.memory_space<vmem>>
        %dma_wait3A_265 = arith.constant 0 : i32
        %dma_wait3A_266 = arith.constant 0 : i32
        %dma_wait3A_267 = tpu.memref_slice %arg12[%dma_wait3A_265, %dma_wait3A_266] : memref<10016x128xf32, #tpu.memory_space<vmem_shared>> -> memref<10016x128xf32, #tpu.memory_space<vmem_shared>>
        tpu.wait_indirect_dma semaphore(%run_scoped3A : memref<!tpu.dma_semaphore, #tpu.memory_space<semaphore_mem>>) src(%arg9 : memref<128x128xf32, #tpu.memory_space<vmem>>) dst(%dma_wait3A_267 : memref<10016x128xf32, #tpu.memory_space<vmem_shared>>)
        tpu.yield
      }) : () -> ()
      %convert_element_type3A_253 = arith.extui %or3A : i1 to i32
      %cond3A_254 = arith.constant 0 : i32
      %cond3A_255 = arith.cmpi ne, %convert_element_type3A_253, %cond3A_254 : i32
      scf.if %cond3A_255 {
        %dma_start3A_256 = arith.constant 0 : i32
        %dma_start3A_257 = tpu.memref_slice %arg8[%scan3A_242, %dma_start3A_256] : memref<79x128xi32, #tpu.memory_space<vmem>> -> memref<1x128xi32, #tpu.memory_space<vmem>>
        %dma_start3A_258 = tpu.memref_squeeze %dma_start3A_257 : memref<1x128xi32, #tpu.memory_space<vmem>> -> memref<128xi32, #tpu.memory_space<vmem>>
        %dma_start3A_259 = arith.constant 0 : i32
        %dma_start3A_260 = tpu.memref_slice %arg13[%dma_start3A_259] : memref<10112xf32, #tpu.memory_space<vmem_shared>> -> memref<10112xf32, #tpu.memory_space<vmem_shared>>
        tpu.enqueue_indirect_dma source(%arg10 : memref<128xf32, #tpu.memory_space<vmem>>) target(%dma_start3A_260 : memref<10112xf32, #tpu.memory_space<vmem_shared>>) offsets(%dma_start3A_258 : memref<128xi32, #tpu.memory_space<vmem>>) semaphore(%arg15 : memref<!tpu.dma_semaphore, #tpu.memory_space<semaphore_mem>>) {add = true}
      } else {
      }
    }
    %scan3A_222 = arith.constant 79 : i32
    %convert_element_type3A = arith.extui %or3A : i1 to i32
    %cond3A = arith.constant 0 : i32
    %cond3A_223 = arith.cmpi ne, %convert_element_type3A, %cond3A : i32
    scf.if %cond3A_223 {
      %scan3A_242 = arith.constant 0 : i32
      %scan3A_243 = arith.constant 0 : i32
      %scan3A_244 = arith.constant 79 : i32
      %scan3A_245 = arith.addi %scan3A_243, %scan3A_244 : i32
      %scan3A_246 = arith.constant 1 : i32
      scf.for %scan3A_248 = %scan3A_243 to %scan3A_245 step %scan3A_246  : i32 {
        %dma_wait3A = arith.constant 0 : i32
        %dma_wait3A_249 = tpu.memref_slice %arg6[%dma_wait3A] : memref<20224xf32, #tpu.memory_space<hbm>> -> memref<128xf32, #tpu.memory_space<hbm>>
        %dma_wait3A_250 = arith.constant 0 : i32
        %dma_wait3A_251 = tpu.memref_slice %arg6[%dma_wait3A_250] : memref<20224xf32, #tpu.memory_space<hbm>> -> memref<128xf32, #tpu.memory_space<hbm>>
        tpu.wait_dma2 semaphore(%arg15 : memref<!tpu.dma_semaphore, #tpu.memory_space<semaphore_mem>>) src(%dma_wait3A_251 : memref<128xf32, #tpu.memory_space<hbm>>) dst(%arg10 : memref<128xf32, #tpu.memory_space<vmem>>)
      }
      %scan3A_247 = arith.constant 79 : i32
    } else {
    }
    %barrier3A_224 = arith.constant 0 : index
    tpu.barrier barrier_id(%barrier3A_224)
    %lt3A_225 = arith.constant 15 : i32
    %lt3A_226 = arith.cmpi slt, %arg1, %lt3A_225 : i32
    %convert_element_type3A_227 = arith.extui %lt3A_226 : i1 to i32
    %cond3A_228 = arith.constant 0 : i32
    %cond3A_229 = arith.cmpi ne, %convert_element_type3A_227, %cond3A_228 : i32
    scf.if %cond3A_229 {
      %mul3A_242 = arith.constant 624 : i32
      %mul3A_243 = arith.muli %arg1, %mul3A_242 : i32
      %mul3A_244 = arith.constant 624 : i32
      %mul3A_245 = arith.muli %arg1, %mul3A_244 : i32
      "tpu.region"() ({
        %run_scoped3A = tpu.sem_alloc : memref<!tpu.dma_semaphore, #tpu.memory_space<semaphore_mem>>
        %dma_start3A = arith.constant 0 : i32
        %dma_start3A_246 = tpu.memref_slice %arg5[%arg0, %mul3A_245, %dma_start3A] : memref<2x10000x128xf32, #tpu.memory_space<hbm>> -> memref<1x624x128xf32, #tpu.memory_space<hbm>>
        %dma_start3A_247 = tpu.memref_squeeze %dma_start3A_246 : memref<1x624x128xf32, #tpu.memory_space<hbm>> -> memref<624x128xf32, #tpu.memory_space<hbm>>
        %dma_start3A_248 = arith.constant 0 : i32
        %dma_start3A_249 = tpu.memref_slice %arg12[%mul3A_243, %dma_start3A_248] : memref<10016x128xf32, #tpu.memory_space<vmem_shared>> -> memref<624x128xf32, #tpu.memory_space<vmem_shared>>
        tpu.enqueue_dma source(%dma_start3A_249 : memref<624x128xf32, #tpu.memory_space<vmem_shared>>) target(%dma_start3A_247 : memref<624x128xf32, #tpu.memory_space<hbm>>) target_semaphore(%run_scoped3A : memref<!tpu.dma_semaphore, #tpu.memory_space<semaphore_mem>>)
        %dma_wait3A = arith.constant 0 : i32
        %dma_wait3A_250 = tpu.memref_slice %arg5[%arg0, %mul3A_245, %dma_wait3A] : memref<2x10000x128xf32, #tpu.memory_space<hbm>> -> memref<1x624x128xf32, #tpu.memory_space<hbm>>
        %dma_wait3A_251 = tpu.memref_squeeze %dma_wait3A_250 : memref<1x624x128xf32, #tpu.memory_space<hbm>> -> memref<624x128xf32, #tpu.memory_space<hbm>>
        %dma_wait3A_252 = arith.constant 0 : i32
        %dma_wait3A_253 = tpu.memref_slice %arg12[%mul3A_243, %dma_wait3A_252] : memref<10016x128xf32, #tpu.memory_space<vmem_shared>> -> memref<624x128xf32, #tpu.memory_space<vmem_shared>>
        tpu.wait_dma2 semaphore(%run_scoped3A : memref<!tpu.dma_semaphore, #tpu.memory_space<semaphore_mem>>) src(%dma_wait3A_253 : memref<624x128xf32, #tpu.memory_space<vmem_shared>>) dst(%dma_wait3A_251 : memref<624x128xf32, #tpu.memory_space<hbm>>)
        tpu.yield
      }) : () -> ()
    } else {
    }
    %eq3A_230 = arith.constant 15 : i32
    %eq3A_231 = arith.cmpi eq, %arg1, %eq3A_230 : i32
    %convert_element_type3A_232 = arith.extui %eq3A_231 : i1 to i32
    %cond3A_233 = arith.constant 0 : i32
    %cond3A_234 = arith.cmpi ne, %convert_element_type3A_232, %cond3A_233 : i32
    scf.if %cond3A_234 {
      "tpu.region"() ({
        %run_scoped3A = tpu.sem_alloc : memref<!tpu.dma_semaphore, #tpu.memory_space<semaphore_mem>>
        %dma_start3A = arith.constant 9360 : i32
        %dma_start3A_242 = arith.constant 0 : i32
        %dma_start3A_243 = tpu.memref_slice %arg5[%arg0, %dma_start3A, %dma_start3A_242] : memref<2x10000x128xf32, #tpu.memory_space<hbm>> -> memref<1x640x128xf32, #tpu.memory_space<hbm>>
        %dma_start3A_244 = tpu.memref_squeeze %dma_start3A_243 : memref<1x640x128xf32, #tpu.memory_space<hbm>> -> memref<640x128xf32, #tpu.memory_space<hbm>>
        %dma_start3A_245 = arith.constant 9360 : i32
        %dma_start3A_246 = arith.constant 0 : i32
        %dma_start3A_247 = tpu.memref_slice %arg12[%dma_start3A_245, %dma_start3A_246] : memref<10016x128xf32, #tpu.memory_space<vmem_shared>> -> memref<640x128xf32, #tpu.memory_space<vmem_shared>>
        tpu.enqueue_dma source(%dma_start3A_247 : memref<640x128xf32, #tpu.memory_space<vmem_shared>>) target(%dma_start3A_244 : memref<640x128xf32, #tpu.memory_space<hbm>>) target_semaphore(%run_scoped3A : memref<!tpu.dma_semaphore, #tpu.memory_space<semaphore_mem>>)
        %dma_wait3A = arith.constant 9360 : i32
        %dma_wait3A_248 = arith.constant 0 : i32
        %dma_wait3A_249 = tpu.memref_slice %arg5[%arg0, %dma_wait3A, %dma_wait3A_248] : memref<2x10000x128xf32, #tpu.memory_space<hbm>> -> memref<1x640x128xf32, #tpu.memory_space<hbm>>
        %dma_wait3A_250 = tpu.memref_squeeze %dma_wait3A_249 : memref<1x640x128xf32, #tpu.memory_space<hbm>> -> memref<640x128xf32, #tpu.memory_space<hbm>>
        %dma_wait3A_251 = arith.constant 9360 : i32
        %dma_wait3A_252 = arith.constant 0 : i32
        %dma_wait3A_253 = tpu.memref_slice %arg12[%dma_wait3A_251, %dma_wait3A_252] : memref<10016x128xf32, #tpu.memory_space<vmem_shared>> -> memref<640x128xf32, #tpu.memory_space<vmem_shared>>
        tpu.wait_dma2 semaphore(%run_scoped3A : memref<!tpu.dma_semaphore, #tpu.memory_space<semaphore_mem>>) src(%dma_wait3A_253 : memref<640x128xf32, #tpu.memory_space<vmem_shared>>) dst(%dma_wait3A_250 : memref<640x128xf32, #tpu.memory_space<hbm>>)
        tpu.yield
      }) : () -> ()
    } else {
    }
    %mul3A_235 = arith.constant 632 : i32
    %mul3A_236 = arith.muli %arg1, %mul3A_235 : i32
    "tpu.region"() ({
      %run_scoped3A = tpu.sem_alloc : memref<!tpu.dma_semaphore, #tpu.memory_space<semaphore_mem>>
      %dma_start3A = arith.constant 0 : i32
      %dma_start3A_242 = tpu.memref_slice %arg11[%dma_start3A] : memref<640xf32, #tpu.memory_space<vmem>> -> memref<632xf32, #tpu.memory_space<vmem>>
      %dma_start3A_243 = tpu.memref_slice %arg13[%mul3A_236] : memref<10112xf32, #tpu.memory_space<vmem_shared>> -> memref<632xf32, #tpu.memory_space<vmem_shared>>
      %dma_start3A_244 = arith.constant 0 : i32
      %dma_start3A_245 = tpu.memref_slice %arg11[%dma_start3A_244] : memref<640xf32, #tpu.memory_space<vmem>> -> memref<632xf32, #tpu.memory_space<vmem>>
      %dma_start3A_246 = tpu.memref_slice %arg13[%mul3A_236] : memref<10112xf32, #tpu.memory_space<vmem_shared>> -> memref<632xf32, #tpu.memory_space<vmem_shared>>
      tpu.enqueue_dma source(%dma_start3A_246 : memref<632xf32, #tpu.memory_space<vmem_shared>>) target(%dma_start3A_245 : memref<632xf32, #tpu.memory_space<vmem>>) target_semaphore(%run_scoped3A : memref<!tpu.dma_semaphore, #tpu.memory_space<semaphore_mem>>)
      %dma_wait3A = arith.constant 0 : i32
      %dma_wait3A_247 = tpu.memref_slice %arg11[%dma_wait3A] : memref<640xf32, #tpu.memory_space<vmem>> -> memref<632xf32, #tpu.memory_space<vmem>>
      %dma_wait3A_248 = tpu.memref_slice %arg13[%mul3A_236] : memref<10112xf32, #tpu.memory_space<vmem_shared>> -> memref<632xf32, #tpu.memory_space<vmem_shared>>
      %dma_wait3A_249 = arith.constant 0 : i32
      %dma_wait3A_250 = tpu.memref_slice %arg11[%dma_wait3A_249] : memref<640xf32, #tpu.memory_space<vmem>> -> memref<632xf32, #tpu.memory_space<vmem>>
      %dma_wait3A_251 = tpu.memref_slice %arg13[%mul3A_236] : memref<10112xf32, #tpu.memory_space<vmem_shared>> -> memref<632xf32, #tpu.memory_space<vmem_shared>>
      tpu.wait_dma2 semaphore(%run_scoped3A : memref<!tpu.dma_semaphore, #tpu.memory_space<semaphore_mem>>) src(%dma_wait3A_251 : memref<632xf32, #tpu.memory_space<vmem_shared>>) dst(%dma_wait3A_250 : memref<632xf32, #tpu.memory_space<vmem>>)
      tpu.yield
    }) : () -> ()
    %mul3A_237 = arith.constant 10112 : i32
    %mul3A_238 = arith.muli %arg0, %mul3A_237 : i32
    %mul3A_239 = arith.constant 632 : i32
    %mul3A_240 = arith.muli %arg1, %mul3A_239 : i32
    %add3A_241 = arith.addi %mul3A_238, %mul3A_240 : i32
    "tpu.region"() ({
      %run_scoped3A = tpu.sem_alloc : memref<!tpu.dma_semaphore, #tpu.memory_space<semaphore_mem>>
      %dma_start3A = arith.constant 0 : i32
      %dma_start3A_242 = tpu.memref_slice %arg11[%dma_start3A] : memref<640xf32, #tpu.memory_space<vmem>> -> memref<632xf32, #tpu.memory_space<vmem>>
      %dma_start3A_243 = tpu.memref_slice %arg6[%add3A_241] : memref<20224xf32, #tpu.memory_space<hbm>> -> memref<632xf32, #tpu.memory_space<hbm>>
      %dma_start3A_244 = tpu.memref_slice %arg6[%add3A_241] : memref<20224xf32, #tpu.memory_space<hbm>> -> memref<632xf32, #tpu.memory_space<hbm>>
      %dma_start3A_245 = arith.constant 0 : i32
      %dma_start3A_246 = tpu.memref_slice %arg11[%dma_start3A_245] : memref<640xf32, #tpu.memory_space<vmem>> -> memref<632xf32, #tpu.memory_space<vmem>>
      tpu.enqueue_dma source(%dma_start3A_246 : memref<632xf32, #tpu.memory_space<vmem>>) target(%dma_start3A_244 : memref<632xf32, #tpu.memory_space<hbm>>) target_semaphore(%run_scoped3A : memref<!tpu.dma_semaphore, #tpu.memory_space<semaphore_mem>>)
      %dma_wait3A = arith.constant 0 : i32
      %dma_wait3A_247 = tpu.memref_slice %arg11[%dma_wait3A] : memref<640xf32, #tpu.memory_space<vmem>> -> memref<632xf32, #tpu.memory_space<vmem>>
      %dma_wait3A_248 = tpu.memref_slice %arg6[%add3A_241] : memref<20224xf32, #tpu.memory_space<hbm>> -> memref<632xf32, #tpu.memory_space<hbm>>
      %dma_wait3A_249 = tpu.memref_slice %arg6[%add3A_241] : memref<20224xf32, #tpu.memory_space<hbm>> -> memref<632xf32, #tpu.memory_space<hbm>>
      %dma_wait3A_250 = arith.constant 0 : i32
      %dma_wait3A_251 = tpu.memref_slice %arg11[%dma_wait3A_250] : memref<640xf32, #tpu.memory_space<vmem>> -> memref<632xf32, #tpu.memory_space<vmem>>
      tpu.wait_dma2 semaphore(%run_scoped3A : memref<!tpu.dma_semaphore, #tpu.memory_space<semaphore_mem>>) src(%dma_wait3A_251 : memref<632xf32, #tpu.memory_space<vmem>>) dst(%dma_wait3A_249 : memref<632xf32, #tpu.memory_space<hbm>>)
      tpu.yield
    }) : () -> ()
    return
  }
}

module attributes {stable_mosaic.version = 14 : i64} {
  func.func @_mlp_body(%arg0: i32, %arg1: memref<1x1000x128xf32, #tpu.memory_space<vmem>>, %arg2: memref<1x1000x128xf32, #tpu.memory_space<vmem>>, %arg3: memref<1x1000x1xf32, #tpu.memory_space<vmem>>, %arg4: memref<1x1000x1xf32, #tpu.memory_space<vmem>>, %arg5: memref<128x256xf32, #tpu.memory_space<vmem>>, %arg6: memref<128x256xf32, #tpu.memory_space<vmem>>, %arg7: memref<1x256xf32, #tpu.memory_space<vmem>>, %arg8: memref<256x256xf32, #tpu.memory_space<vmem>>, %arg9: memref<1x256xf32, #tpu.memory_space<vmem>>, %arg10: memref<1000x256xf32, #tpu.memory_space<vmem>>) attributes {dimension_semantics = [#tpu.dimension_semantics<arbitrary>], iteration_bounds = array<i64: 10>, scalar_prefetch = 0 : i64, scratch_operands = 0 : i64, tpu.core_type = #tpu.core_type<tc>, window_params = [{transform_indices = @transform_0, window_bounds = array<i64: 1, 1000, 128>}, {transform_indices = @transform_1, window_bounds = array<i64: 1, 1000, 128>}, {transform_indices = @transform_2, window_bounds = array<i64: 1, 1000, 1>}, {transform_indices = @transform_3, window_bounds = array<i64: 1, 1000, 1>}, {pipeline_mode = #tpu.pipeline_mode<synchronous>, transform_indices = @transform_4, window_bounds = array<i64: 128, 256>}, {pipeline_mode = #tpu.pipeline_mode<synchronous>, transform_indices = @transform_5, window_bounds = array<i64: 128, 256>}, {pipeline_mode = #tpu.pipeline_mode<synchronous>, transform_indices = @transform_6, window_bounds = array<i64: 1, 256>}, {pipeline_mode = #tpu.pipeline_mode<synchronous>, transform_indices = @transform_7, window_bounds = array<i64: 256, 256>}, {pipeline_mode = #tpu.pipeline_mode<synchronous>, transform_indices = @transform_8, window_bounds = array<i64: 1, 256>}, {transform_indices = @transform_9, window_bounds = array<i64: 1000, 256>}]} {
    %get3A = arith.constant 0 : index
    %get3A_0 = arith.constant 0 : index
    %get3A_1 = arith.constant 0 : index
    %get3A_2 = vector.load %arg3[%get3A, %get3A_0, %get3A_1] : memref<1x1000x1xf32, #tpu.memory_space<vmem>>, vector<1x1000x1xf32>
    %get3A_3 = vector.shape_cast %get3A_2 : vector<1x1000x1xf32> to vector<1000x1xf32>
    %get3A_4 = arith.constant 0 : index
    %get3A_5 = arith.constant 0 : index
    %get3A_6 = arith.constant 0 : index
    %get3A_7 = vector.load %arg4[%get3A_4, %get3A_5, %get3A_6] : memref<1x1000x1xf32, #tpu.memory_space<vmem>>, vector<1x1000x1xf32>
    %get3A_8 = vector.shape_cast %get3A_7 : vector<1x1000x1xf32> to vector<1000x1xf32>
    %add3A = arith.addf %get3A_3, %get3A_8 : vector<1000x1xf32>
    %max3A = arith.constant 1.000000e+00 : f32
    %max3A_9 = vector.broadcast %max3A : f32 to vector<1000x1xf32>
    %max3A_10 = arith.maximumf %add3A, %max3A_9 : vector<1000x1xf32>
    %div3A = arith.constant 1.000000e+00 : f32
    %div3A_11 = vector.broadcast %div3A : f32 to vector<1000x1xf32>
    %div3A_12 = arith.divf %div3A_11, %max3A_10 : vector<1000x1xf32>
    %get3A_13 = arith.constant 0 : index
    %get3A_14 = arith.constant 0 : index
    %get3A_15 = arith.constant 0 : index
    %get3A_16 = vector.load %arg1[%get3A_13, %get3A_14, %get3A_15] : memref<1x1000x128xf32, #tpu.memory_space<vmem>>, vector<1x1000x128xf32>
    %get3A_17 = vector.shape_cast %get3A_16 : vector<1x1000x128xf32> to vector<1000x128xf32>
    %mul3A = vector.broadcast %div3A_12 : vector<1000x1xf32> to vector<1000x128xf32>
    %mul3A_18 = arith.mulf %get3A_17, %mul3A : vector<1000x128xf32>
    %get3A_19 = arith.constant 0 : index
    %get3A_20 = arith.constant 0 : index
    %get3A_21 = arith.constant 0 : index
    %get3A_22 = vector.load %arg2[%get3A_19, %get3A_20, %get3A_21] : memref<1x1000x128xf32, #tpu.memory_space<vmem>>, vector<1x1000x128xf32>
    %get3A_23 = vector.shape_cast %get3A_22 : vector<1x1000x128xf32> to vector<1000x128xf32>
    %mul3A_24 = vector.broadcast %div3A_12 : vector<1000x1xf32> to vector<1000x128xf32>
    %mul3A_25 = arith.mulf %get3A_23, %mul3A_24 : vector<1000x128xf32>
    %get3A_26 = arith.constant 0 : index
    %get3A_27 = arith.constant 0 : index
    %get3A_28 = vector.load %arg5[%get3A_26, %get3A_27] : memref<128x256xf32, #tpu.memory_space<vmem>>, vector<128x256xf32>
    %dot_general3A = arith.constant dense<0.000000e+00> : vector<1000x256xf32>
    %dot_general3A_29 = tpu.matmul %mul3A_18, %get3A_28, %dot_general3A {dimension_numbers = #tpu.dot_dimension_numbers<[1], [0], [0], [1], [0, 0, 1, 1], [], []>, transpose_lhs_hint = false} : vector<1000x128xf32>, vector<128x256xf32>, vector<1000x256xf32> -> vector<1000x256xf32>
    %get3A_30 = arith.constant 0 : index
    %get3A_31 = arith.constant 0 : index
    %get3A_32 = vector.load %arg6[%get3A_30, %get3A_31] : memref<128x256xf32, #tpu.memory_space<vmem>>, vector<128x256xf32>
    %dot_general3A_33 = arith.constant dense<0.000000e+00> : vector<1000x256xf32>
    %dot_general3A_34 = tpu.matmul %mul3A_25, %get3A_32, %dot_general3A_33 {dimension_numbers = #tpu.dot_dimension_numbers<[1], [0], [0], [1], [0, 0, 1, 1], [], []>, transpose_lhs_hint = false} : vector<1000x128xf32>, vector<128x256xf32>, vector<1000x256xf32> -> vector<1000x256xf32>
    %add3A_35 = arith.addf %dot_general3A_29, %dot_general3A_34 : vector<1000x256xf32>
    %get3A_36 = arith.constant 0 : index
    %get3A_37 = arith.constant 0 : index
    %get3A_38 = vector.load %arg7[%get3A_36, %get3A_37] : memref<1x256xf32, #tpu.memory_space<vmem>>, vector<1x256xf32>
    %add3A_39 = vector.broadcast %get3A_38 : vector<1x256xf32> to vector<1000x256xf32>
    %add3A_40 = arith.addf %add3A_35, %add3A_39 : vector<1000x256xf32>
    %max3A_41 = arith.constant 0.000000e+00 : f32
    %max3A_42 = vector.broadcast %max3A_41 : f32 to vector<1000x256xf32>
    %max3A_43 = arith.maximumf %add3A_40, %max3A_42 : vector<1000x256xf32>
    %get3A_44 = arith.constant 0 : index
    %get3A_45 = arith.constant 0 : index
    %get3A_46 = vector.load %arg8[%get3A_44, %get3A_45] : memref<256x256xf32, #tpu.memory_space<vmem>>, vector<256x256xf32>
    %dot_general3A_47 = arith.constant dense<0.000000e+00> : vector<1000x256xf32>
    %dot_general3A_48 = tpu.matmul %max3A_43, %get3A_46, %dot_general3A_47 {dimension_numbers = #tpu.dot_dimension_numbers<[1], [0], [0], [1], [0, 0, 1, 1], [], []>, transpose_lhs_hint = false} : vector<1000x256xf32>, vector<256x256xf32>, vector<1000x256xf32> -> vector<1000x256xf32>
    %get3A_49 = arith.constant 0 : index
    %get3A_50 = arith.constant 0 : index
    %get3A_51 = vector.load %arg9[%get3A_49, %get3A_50] : memref<1x256xf32, #tpu.memory_space<vmem>>, vector<1x256xf32>
    %add3A_52 = vector.broadcast %get3A_51 : vector<1x256xf32> to vector<1000x256xf32>
    %add3A_53 = arith.addf %dot_general3A_48, %add3A_52 : vector<1000x256xf32>
    %swap3A = arith.constant 0 : index
    %swap3A_54 = arith.constant 0 : index
    %swap3A_55 = vector.load %arg10[%swap3A, %swap3A_54] : memref<1000x256xf32, #tpu.memory_space<vmem>>, vector<1000x256xf32>
    tpu.vector_store %arg10[%swap3A, %swap3A_54], %add3A_53 {strides = array<i32>} : memref<1000x256xf32, #tpu.memory_space<vmem>>, vector<1000x256xf32>,
    return
  }
  func.func @transform_0(%arg0: i32) -> (i32, i32, i32) {
    %c0_i32 = arith.constant 0 : i32
    %c0_i32_0 = arith.constant 0 : i32
    %c0_i32_1 = arith.constant 0 : i32
    return %c0_i32, %arg0, %c0_i32_0 : i32, i32, i32
  }
  func.func @transform_1(%arg0: i32) -> (i32, i32, i32) {
    %c1_i32 = arith.constant 1 : i32
    %c0_i32 = arith.constant 0 : i32
    %c0_i32_0 = arith.constant 0 : i32
    return %c1_i32, %arg0, %c0_i32 : i32, i32, i32
  }
  func.func @transform_2(%arg0: i32) -> (i32, i32, i32) {
    %c0_i32 = arith.constant 0 : i32
    %c0_i32_0 = arith.constant 0 : i32
    %c0_i32_1 = arith.constant 0 : i32
    return %c0_i32, %arg0, %c0_i32_0 : i32, i32, i32
  }
  func.func @transform_3(%arg0: i32) -> (i32, i32, i32) {
    %c1_i32 = arith.constant 1 : i32
    %c0_i32 = arith.constant 0 : i32
    %c0_i32_0 = arith.constant 0 : i32
    return %c1_i32, %arg0, %c0_i32 : i32, i32, i32
  }
  func.func @transform_4(%arg0: i32) -> (i32, i32) {
    %c0_i32 = arith.constant 0 : i32
    %c0_i32_0 = arith.constant 0 : i32
    %c0_i32_1 = arith.constant 0 : i32
    return %c0_i32, %c0_i32_0 : i32, i32
  }
  func.func @transform_5(%arg0: i32) -> (i32, i32) {
    %c0_i32 = arith.constant 0 : i32
    %c0_i32_0 = arith.constant 0 : i32
    %c0_i32_1 = arith.constant 0 : i32
    return %c0_i32, %c0_i32_0 : i32, i32
  }
  func.func @transform_6(%arg0: i32) -> (i32, i32) {
    %c0_i32 = arith.constant 0 : i32
    %c0_i32_0 = arith.constant 0 : i32
    %c0_i32_1 = arith.constant 0 : i32
    return %c0_i32, %c0_i32_0 : i32, i32
  }
  func.func @transform_7(%arg0: i32) -> (i32, i32) {
    %c0_i32 = arith.constant 0 : i32
    %c0_i32_0 = arith.constant 0 : i32
    %c0_i32_1 = arith.constant 0 : i32
    return %c0_i32, %c0_i32_0 : i32, i32
  }
  func.func @transform_8(%arg0: i32) -> (i32, i32) {
    %c0_i32 = arith.constant 0 : i32
    %c0_i32_0 = arith.constant 0 : i32
    %c0_i32_1 = arith.constant 0 : i32
    return %c0_i32, %c0_i32_0 : i32, i32
  }
  func.func @transform_9(%arg0: i32) -> (i32, i32) {
    %c0_i32 = arith.constant 0 : i32
    %c0_i32_0 = arith.constant 0 : i32
    return %arg0, %c0_i32 : i32, i32
  }
}

</mosaic_0001>

<sc_bundles>
// kernel: kernel.4.cloned.1.call-start
scs
__scs_entry_jumppad:
0x0: {  	(pc) =	sbr.rel $0x88, $3  }
0x1: {  	(tag) =	ssettag $0x0;
	lr =	simm.s32 $0x1  }
0x2: {  	[smem:$0x3F9B] =	sst lr;
	_ =	strace $0xD0000000  }
0x3: {  	_ = 	snop  }
0x4: {  	_ = 	snop  }
0x5: {  	_ = 	snop  }
0x6: {  	_ = 	snop  }
0x7: {  	_ = 	snop  }
__scs_overlays_trampoline_lowered:
0x8: {  	[smem:$0x3FAA] =	sst s0  }
0x9: {  	[smem:$0x3FAB] =	sst s1  }
0xa: {  	[smem:$0x3FAC] =	sst s2  }
0xb: {  	[smem:$0x3FAD] =	sst s3  }
0xc: {  	[smem:$0x3FAE] =	sst s4  }
0xd: {  	[smem:$0x3FAF] =	sst s5  }
0xe: {  	[smem:$0x3FB0] =	sst s6  }
0xf: {  	[smem:$0x3FB1] =	sst s7  }
0x10: {  	[smem:$0x3FB2] =	sst s8  }
0x11: {  	[smem:$0x3FB3] =	sst s9;
	s0 =	simm.s32 @!p0 $0x0  }
0x12: {  	s1 =	sld [smem:$0x3F99];
	s0 =	simm.s32 @p0 $0x1  }
0x13: {  	[smem:$0x3FB4] =	sst s0;
	s0 =	simm.s32 @!p1 $0x0  }
0x14: {  	s2 =	sld [smem:$0x3F98];
	s0 =	simm.s32 @p1 $0x1  }
0x15: {  	[smem:$0x3FB5] =	sst s0;
	s0 =	simm.s32 @!p2 $0x0  }
0x16: {  	s3 =	sld [smem:$0x3FDB];
	s0 =	simm.s32 @p2 $0x1  }
0x17: {  	s4 =	simm.s32 $0x1BF5;
	[smem:$0x3FB7] =	sst s0  }
0x18: {  	s0 =	sld [smem:$0x3F9A];
	_ =	swait.ge [sflag:s4], $0x0  }
0x19: {  	s7 =	sld [smem:$0x3F9B]  }
0x1a: {  	s8 =	sadd.s32 $0xFFFFE003, lr  }
0x1b: {  	s9 =	sadd.s32 $0xFFFFFEF7, lr;
	s5 =	simm.s32 $0xFFFFFFFF;
	p2 =	slt.u32 s8, $0xFFFFF086  }
0x1c: {  	p1 =	slt.u32 s9, $0xF7A;
	s5 =	simm.s32 @!p2 $0x0  }
0x1d: {  	s5 =	simm.s32 @p1 $0x1;
	p0 =	seq.s32 s7, s2  }
0x1e: {  	s7 =	smul.u32 @!p0 $0xF7A, s2;
	p2 =	seq.s32 @!p0 s5, $0x0  }
0x1f: {  	s9 =	smul.u32 $0xF7A, s1;
	s8 =	simm.s32 @!p0 $0x1BF5;
	p2 =	por !p2, p0  }
0x20: {  	[sflag:s8] =	ssyncset.s32 @!p0 $0xFFFFF086;
	s6 =	sadd.s32 @!p0 s3, s7;
	s7 =	simm.s32 @!p0 $0x108  }
0x21: {  	s3 =	sadd.s32 s3, s9;
	s6 =	sadd.s32 @!p0 $0x88, s6;
	s7 =	simm.s32 @p2 $0x1082  }
0x22: {  	[simem:s7], [sflag:s8] =	dma.local @!p0 [hbm:s6], $0xF7A  }
0x23: {  	s9 =	sor.u32 $0xD0000000, s2;
	s6 =	simm.s32 $0x108;
	_ =	swait.ge @!p0 [sflag:s8], $0x0  }
0x24: {  	s3 =	sadd.s32 $0x88, s3;
	s6 =	simm.s32 @!p1 $0x1082;
	[sflag:s4] =	ssyncset.s32 $0xFFFFF086  }
0x25: {  	[simem:s6], [sflag:s4] =	dma.local [hbm:s3], $0xF7A  }
0x26: {  	[smem:$0x3F9B] =	sst s1;
	(tag) =	ssettag s2;
	_ =	strace s9  }
0x27: {  	s1 =	sld [smem:$0x3FAB]  }
0x28: {  	s2 =	sld [smem:$0x3FAC]  }
0x29: {  	s4 =	sld [smem:$0x3FAE]  }
0x2a: {  	p0 =	seq.s32 s5, $0x0;
	s5 =	sld [smem:$0x3FAF]  }
0x2b: {  	s6 =	sld [smem:$0x3FB0]  }
0x2c: {  	s7 =	sld [smem:$0x3FB1]  }
0x2d: {  	s3 =	simm.s32 $0x108;
	s8 =	sld [smem:$0x3FB2]  }
0x2e: {  	s3 =	simm.s32 @!p0 $0x1082;
	s9 =	sld [smem:$0x3FB3]  }
0x2f: {  	lr =	sadd.s32 s0, s3;
	s0 =	sld [smem:$0x3FAA]  }
0x30: {  	s3 =	sld [smem:$0x3FAD]  }
0x31: {  	[smem:$0x3FB6] =	sst s10  }
0x32: {  	s10 =	sld [smem:$0x3FB4];
	_ =	sdelay $0x3  }
0x33: {  	p0 =	seq.s32 s10, $0x1;
	s10 =	sld [smem:$0x3FB6];
	_ =	sdelay $0x3  }
0x34: {  	[smem:$0x3FB6] =	sst s10  }
0x35: {  	s10 =	sld [smem:$0x3FB5];
	_ =	sdelay $0x3  }
0x36: {  	p1 =	seq.s32 s10, $0x1;
	s10 =	sld [smem:$0x3FB6];
	_ =	sdelay $0x3  }
0x37: {  	[smem:$0x3FB6] =	sst s10  }
0x38: {  	s10 =	sld [smem:$0x3FB7]  }
0x39: {  	_ = 	snop;
	(pc) =	sbr.ind lr, $3  }
0x3a: {  	_ = 	snop  }
0x3b: {  	_ = 	snop  }
0x3c: {  	p2 =	seq.s32 s10, $0x1;
	s10 =	sld [smem:$0x3FB6]  }
0x3d: {  	_ =	shalt  }
0x3e: {  	_ =	shalt  }
0x3f: {  	_ =	shalt  }
0x40: {  	_ =	shalt  }
0x41: {  	_ =	shalt  }
0x42: {  	_ =	shalt  }
0x43: {  	_ =	shalt  }
0x44: {  	_ =	shalt  }
0x45: {  	_ =	shalt  }
0x46: {  	_ =	shalt  }
0x47: {  	_ =	shalt  }
0x48: {  	_ =	shalt  }
0x49: {  	_ =	shalt  }
0x4a: {  	_ =	shalt  }
0x4b: {  	_ =	shalt  }
0x4c: {  	_ =	shalt  }
0x4d: {  	_ =	shalt  }
0x4e: {  	_ =	shalt  }
0x4f: {  	_ =	shalt  }
0x50: {  	_ =	shalt  }
0x51: {  	_ =	shalt  }
0x52: {  	_ =	shalt  }
0x53: {  	_ =	shalt  }
0x54: {  	_ =	shalt  }
0x55: {  	_ =	shalt  }
0x56: {  	_ =	shalt  }
0x57: {  	_ =	shalt  }
0x58: {  	_ =	shalt  }
0x59: {  	_ =	shalt  }
0x5a: {  	_ =	shalt  }
0x5b: {  	_ =	shalt  }
0x5c: {  	_ =	shalt  }
0x5d: {  	_ =	shalt  }
0x5e: {  	_ =	shalt  }
0x5f: {  	_ =	shalt  }
0x60: {  	_ =	shalt  }
0x61: {  	_ =	shalt  }
0x62: {  	_ =	shalt  }
0x63: {  	_ =	shalt  }
0x64: {  	_ =	shalt  }
0x65: {  	_ =	shalt  }
0x66: {  	_ =	shalt  }
0x67: {  	_ =	shalt  }
0x68: {  	_ =	shalt  }
0x69: {  	_ =	shalt  }
0x6a: {  	_ =	shalt  }
0x6b: {  	_ =	shalt  }
0x6c: {  	_ =	shalt  }
0x6d: {  	_ =	shalt  }
0x6e: {  	_ =	shalt  }
0x6f: {  	_ =	shalt  }
0x70: {  	_ =	shalt  }
0x71: {  	_ =	shalt  }
0x72: {  	_ =	shalt  }
0x73: {  	_ =	shalt  }
0x74: {  	_ =	shalt  }
0x75: {  	_ =	shalt  }
0x76: {  	_ =	shalt  }
0x77: {  	_ =	shalt  }
0x78: {  	_ =	shalt  }
0x79: {  	_ =	shalt  }
0x7a: {  	_ =	shalt  }
0x7b: {  	_ =	shalt  }
0x7c: {  	_ =	shalt  }
0x7d: {  	_ =	shalt  }
0x7e: {  	_ =	shalt  }
0x7f: {  	_ =	shalt  }
0x80: {  	_ =	shalt  }
0x81: {  	_ =	shalt  }
0x82: {  	_ =	shalt  }
0x83: {  	_ =	shalt  }
0x84: {  	_ =	shalt  }
0x85: {  	_ =	shalt  }
0x86: {  	_ =	shalt  }
0x87: {  	_ =	shalt  }
.Lfunc_end0:
.L_simem_size_0:
called_computation_lowered:
.L_overlay_start_0:
0x88: {  	s2 =	sld [smem:$0x3FD9]  }
0x89: {  	s3 =	sld [smem:$0x3FFE];
	_ =	sdelay $0x1  }
0x8a: {  	s1 =	srdreg.scid  }
0x8b: {  	s0 =	sand.u32 $0x1, s1  }
0x8c: {  	s17 =	sshll.u32 s0, $0xA;
	s2 =	sadd.s32 s3, s2  }
0x8d: {  	s2 =	sadd.s32 s2, s17  }
0x8e: {  	[smem:$0x3FC2] =	sst s2  }
0x8f: {  	_ = 	snop  }
0x90: {  	s2 =	sld [smem:$0x3FD0];
	(tm) =	ssettm $0x1  }
0x91: {  	s18 =	sld [smem:$0x3FFB];
	_ =	sdelay $0x3  }
0x92: {  	_ =	strace s18  }
0x93: {  	s3 =	sld [smem:$0x3FFC];
	_ =	sdelay $0x3  }
0x94: {  	_ =	strace s3  }
0x95: {  	s3 =	sld [smem:$0x3FFD];
	_ =	sdelay $0x3  }
0x96: {  	_ =	strace s3  }
0x97: {  	_ =	strace $0x8FFFFFFF  }
0x98: {  	s19 =	sld [smem:$0x3FDB];
	_ =	sdelay $0x1  }
0x99: {  	s4 =	simm.s32 $_scs_section_size  }
0x9a: {  	s5 =	simm.s32 $_size__tile_overlayer_lowered;
	s6 =	simm.s32 $_tile_overlayer_lowered  }
0x9b: {  	s22 =	simm.s32 $0x1BFF;
	s21 =	sshll.u32 s6, $0x1;
	s3 =	sadd.s32 s4, s19  }
0x9c: {  	s7 =	simm.s32 $0x0;
	s20 =	sshll.u32 s5, $0x1;
	s5 =	sadd.s32 s21, s3  }
0x9d: {  	[timem:s7], [sflag:s22] =	dma.local [hbm:s5], s20  }
0x9e: {  	_ =	swait.ge [sflag:s22], s20  }
0x9f: {  	s4 =	ssub.s32 $0x0, s20;
	[sflag:s22] =	ssyncset.done $0x0  }
0xa0: {  	[sflag:s22] =	ssyncadd.s32 s4;
	_ =	sdelay $0x1  }
0xa1: {  	s23 =	simm.s32 $0x1B8B  }
0xa2: {  	_ =	swait.ge [sflag:s23], $0x1  }
0xa3: {  	[sflag:s23] =	ssyncset.done $0x0  }
0xa4: {  	s25 =	simm.s32 $0x1B8E;
	s24 =	sld [smem:$0x3FFE];
	[sflag:s23] =	ssyncadd.s32 $0xFFFFFFFF  }
0xa5: {  	s26 =	simm.s32 $execute0_lowered;
	[smem:$0x3FD2] =	sst s25  }
0xa6: {  	s5 =	sshll.u32 s26, $0x1;
	_ =	strace $0x80000046;
	[dreg:$0x1] =	wrdreg $0xFFFFFFFF  }
0xa7: {  	s28 =	simm.s32 $_size_execute0_lowered;
	s3 =	sadd.s32 s3, s5;
	[dreg:$0x0] =	wrdreg $0x0  }
0xa8: {  	s5 =	sshll.u32 s28, $0x1;
	[dreg:$0x2] =	wrdreg s3  }
0xa9: {  	[dreg:$0x3] =	wrdreg s5  }
0xaa: {  	[dreg:$0x4] =	wrdreg $0xC0  }
0xab: {  	_ =	task [dreg:s7], $0x5FFFF  }
0xac: {  	[dreg:$0x1] =	wrdreg $0xFFFFFFFF  }
0xad: {  	[dreg:$0x0] =	wrdreg $0x60  }
0xae: {  	[dreg:$0x2] =	wrdreg s2  }
0xaf: {  	[dreg:$0x3] =	wrdreg s24  }
0xb0: {  	[dreg:$0x4] =	wrdreg $0x93000  }
0xb1: {  	[dreg:$0x5] =	wrdreg $0x1CC000  }
0xb2: {  	[dreg:$0x6] =	wrdreg $0x9  }
0xb3: {  	_ =	task.clear_ibuf [dreg:s7], $0x7FFFF;
	_ =	strace $0x90000046  }
0xb4: {  	s29 =	simm.s32 $0x9;
	_ =	strace $0x80000048  }
0xb5: {  	_ =	swait.ge [sflag:s29], $0x1  }
0xb6: {  	[sflag:s29] =	ssyncadd.s32 $0xFFFFFFFF  }
0xb7: {  	_ =	strace $0x90000048  }
0xb8: {  	_ =	sfence  }
0xb9: {  	s30 =	sld [smem:$0x0];
	_ =	sdelay $0x2  }
0xba: {  	s31 =	sshll.u32 s1, $0xD;
	s1 =	sshrl.u32 s1, $0x2  }
0xbb: {  	s3 =	sand.u32 $0x4000, s31;
	s1 =	sadd.s32 s1, s30  }
0xbc: {  	s0 =	sor.u32 s3, s0;
	s1 =	sshll.u32 s1, $0x11  }
0xbd: {  	s0 =	sor.u32 s1, s0  }
0xbe: {  	s0 =	sadd.s32 $0x8F2B, s0  }
0xbf: {  	[sflag:s0] =	ssyncadd.remote.s32 $0x1  }
0xc0: {  	_ =	sfence.sel $0xFFFF  }
0xc1: {  	[dreg:$0x0] =	wrdreg $0xFFFFFFFF;
	(pc) =	sbr.abs _section_cstart, $3  }
0xc2: {  	[dreg:$0x1] =	wrdreg $0xFFFFFFFF  }
0xc3: {  	_ =	task.clear_ibuf [dreg:s7], $0x2FFFF;
	_ =	strace $0x9FFFFFFF  }
0xc4: {  	(tm) =	ssettm $0x7FFFFFFF  }
0xc5: {  	_ =	shalt  }
tec
execute0_lowered:
.L_overlay_start_1:
0x0: {  	(tag) =	ssettag $0x1  }
0x1: {  	s1 =	rddreg [dreg:$0x0]  }
0x2: {  	s2 =	rddreg [dreg:$0x1];
	s4 =	srdreg.scid  }
0x3: {  	s0 =	stileid.u32;
	s3 =	rddreg [dreg:$0x2]  }
0x4: {  	s5 =	simm.s32 $0x0;
	s20 =	simm.s32 $0x9080;
	s6 =	smul.u32 $0x2800, s0  }
0x5: {  	s21 =	simm.s32 $0x80;
	s22 =	simm.s32 $0x1;
	s11 =	smul.u32 $0x278, s0  }
0x6: {  	s23 =	simm.s32 $0x9000;
	s28 =	simm.s32 $0x0;
	s30 =	smul.u32 $0x4E400, s0  }
0x7: {  	s8 =	sand.u32 $0x1, s4;
	s4 =	rddreg [dreg:$0x3];
	s16 =	smul.u32 $0x13800, s0  }
0x8: {  	[smem:$0x7FF] =	sst s5;
	s15 =	sadd.s32 $0x10A00, s2;
	s18 =	smul.u32 $0x4E000, s0  }
0x9: {  	p1 =	slt.u32 s0, $0x8;
	p2 =	sgt.u32 s0, $0x7;
	s7 =	smul.u32 $0x28000, s8  }
0xa: {  	s9 =	smul.u32 $0x2780, s8;
	_ =	strace $0x80000047;
	s26 =	ssub.s32 $0x2, s8  }
0xb: {  	p0 =	seq.s32 s8, $0x0;
	p6 =	seq.s32 s8, $0x1;
	s14 =	smul.u32 $0x138800, s8  }
0xc: {  	s29 =	sshrl.u32 s26, $0x1;
	p0 =	por !p0, !p1;
	p1 =	por !p2, !p6  }
0xd: {  	s31 =	sshrl.u32 s30, $0x2;
	s18 =	sshrl.u32 s18, $0x2;
	s7 =	sadd.s32 s6, s7  }
0xe: {  	s6 =	sshrl.u32 s6, $0x3;
	s24 =	sadd.s32 s11, s9;
	s17 =	ssub.s32 s26, s29  }
0xf: {  	p0 =	por !p0, !p0;
	p1 =	por !p1, !p1;
	s11 =	sadd.s32 s11, s4  }
0x10: {  	s16 =	sadd.s32 s16, s14;
	s19 =	sshrl.u32 s14, $0x3;
	s26 =	simm.s32 $0x2  }
0x11: {  	s7 =	sshrl.u32 s7, $0x3;
	s13 =	sadd.s32 s6, s2;
	s25 =	sshrl.u32 s24, $0x3  }
0x12: {  	s6 =	sadd.s32 s31, s3;
	p0 =	por p0, p1;
	s16 =	sshrl.u32 s16, $0x3  }
0x13: {  	s24 =	sadd.s32 $0x124800, s3;
	s17 =	smax.u32 s17, $0x1;
	p1 =	seq.s32 s0, $0xF  }
0x14: {  	s12 =	sadd.s32 s7, s2;
	s2 =	sadd.s32 s25, s2;
	s7 =	sadd.s32 $0x4000, s6  }
.Ltmp0:
0x15: {  	s8 =	sadd.s32 $0x8000, s6;
	s9 =	sadd.s32 $0xC000, s6;
	(pc) =	sbr.rel .LBB2_1-.Ltmp0, $4  }
0x16: {  	s10 =	sadd.s32 $0x10000, s6;
	s13 =	sadd.s32 $0x1000, s13;
	s14 =	sadd.s32 s15, s16  }
0x17: {  	s25 =	sadd.s32 s18, s3;
	s15 =	sadd.s32 s15, s19;
	s18 =	simm.s32 $0x5000  }
0x18: {  	s19 =	simm.s32 $0x3;
	s24 =	sshrl.u32 @p1 s24, $0x3;
	s12 =	sadd.s32 $0x6000, s12  }
0x19: {  	v0 =	vimm.f32 $1.000000000e+00;
	v1 =	vimm.f32 $0.0e+00;
	s15 =	sadd.s32 $0x24900, s15;
	s16 =	sadd.s32 $0x10000, s2;
	s25 =	sshrl.u32 @!p1 s25, $0x3  }
.LBB2_10:
0x1a: {  	[sflag:s26] =	ssyncadd.s32 $0xFFFFFF80  }
.LBB2_11:
0x1b: {  	[bflag:$0x0] =	sbarrier.arrive $0xFFFF;
	s2 =	simm.s32 @p1 $0x1FC3  }
0x1c: {  	[hbm:s15], [sflag:s2] =	dma.local @p1 [spmem:s24], $0x2800  }
0x1d: {  	s2 =	simm.s32 @p1 $0x3  }
0x1e: {  	_ =	swait.ge @p1 [sflag:s2], $0x2800  }
0x1f: {  	s29 =	sshll.u32 @!p1 s0, $0x6;
	[sflag:s2] =	ssyncset.done @p1 $0x0  }
0x20: {  	[sflag:s2] =	ssyncadd.s32 @p1 $0xFFFFD800;
	s2 =	sor.u32 @!p1 $0x1C03, s29  }
0x21: {  	[hbm:s14], [sflag:s2] =	dma.local @!p1 [spmem:s25], $0x2700  }
0x22: {  	s2 =	simm.s32 @!p1 $0x3  }
0x23: {  	_ =	swait.ge @!p1 [sflag:s2], $0x2700  }
0x24: {  	[sflag:s2] =	ssyncset.done @!p1 $0x0  }
0x25: {  	[sflag:s2] =	ssyncadd.s32 @!p1 $0xFFFFD900  }
0x26: {  	[tilespmem:s20], [sflag:$0x3] =	stream.linear.gather [spmem:s11], $0x278, $0x38;
	[tilespmem:$0x1CE78] =	vst v63  }
0x27: {  	s28 =	sadd.s32 $0x1, s28;
	_ =	swait.ge [sflag:s19], $0x278  }
0x28: {  	p2 =	sne.s32 s28, s17;
	[sflag:s19] =	ssyncset.done $0x0  }
.Ltmp1:
0x29: {  	[sflag:s19] =	ssyncadd.s32 $0xFFFFFD88;
	(pc) =	sbr.rel @!p2 .LBB2_12-.Ltmp1, $4  }
0x2a: {  	[hbm4b:s16+s5] =	stream.linear.scatter [tilespmem:s20], [sflag:$0x3], $0x278, $0x38;
	[tilespmem:$0x1CE78] =	vst v63  }
0x2b: {  	_ =	swait.ge [sflag:s19], $0x278  }
0x2c: {  	[sflag:s19] =	ssyncset.done $0x0  }
0x2d: {  	[sflag:s19] =	ssyncadd.s32 $0xFFFFFD88  }
.LBB2_1:
0x2e: {  	[tilespmem:$0x9000] =	vst v0  }
0x2f: {  	[tilespmem:$0x9010] =	vst v0  }
0x30: {  	[tilespmem:$0x9020] =	vst v0  }
0x31: {  	[tilespmem:$0x9030] =	vst v0  }
0x32: {  	[tilespmem:$0x9040] =	vst v0  }
0x33: {  	[tilespmem:$0x9050] =	vst v0  }
0x34: {  	[tilespmem:$0x9060] =	vst v0  }
0x35: {  	[tilespmem:$0x9070] =	vst v0  }
0x36: {  	[tilespmem:$0x9080] =	vst v1  }
0x37: {  	[tilespmem:$0x9090] =	vst v1  }
0x38: {  	[tilespmem:$0x90A0] =	vst v1  }
0x39: {  	[tilespmem:$0x90B0] =	vst v1  }
0x3a: {  	[tilespmem:$0x90C0] =	vst v1  }
0x3b: {  	[tilespmem:$0x90D0] =	vst v1  }
0x3c: {  	[tilespmem:$0x90E0] =	vst v1  }
0x3d: {  	[tilespmem:$0x90F0] =	vst v1  }
0x3e: {  	[tilespmem:$0x9100] =	vst v1  }
0x3f: {  	[tilespmem:$0x9110] =	vst v1  }
0x40: {  	[tilespmem:$0x9120] =	vst v1  }
0x41: {  	[tilespmem:$0x9130] =	vst v1  }
0x42: {  	[tilespmem:$0x9140] =	vst v1  }
0x43: {  	[tilespmem:$0x9150] =	vst v1  }
0x44: {  	[tilespmem:$0x9160] =	vst v1  }
0x45: {  	[tilespmem:$0x9170] =	vst v1  }
0x46: {  	[tilespmem:$0x9180] =	vst v1  }
0x47: {  	[tilespmem:$0x9190] =	vst v1  }
0x48: {  	[tilespmem:$0x91A0] =	vst v1  }
0x49: {  	[tilespmem:$0x91B0] =	vst v1  }
0x4a: {  	[tilespmem:$0x91C0] =	vst v1  }
0x4b: {  	[tilespmem:$0x91D0] =	vst v1  }
0x4c: {  	[tilespmem:$0x91E0] =	vst v1  }
0x4d: {  	[tilespmem:$0x91F0] =	vst v1  }
0x4e: {  	[tilespmem:$0x9200] =	vst v1  }
0x4f: {  	[tilespmem:$0x9210] =	vst v1  }
0x50: {  	[tilespmem:$0x9220] =	vst v1  }
0x51: {  	[tilespmem:$0x9230] =	vst v1  }
0x52: {  	[tilespmem:$0x9240] =	vst v1  }
0x53: {  	[tilespmem:$0x9250] =	vst v1  }
0x54: {  	[tilespmem:$0x9260] =	vst v1  }
0x55: {  	[tilespmem:$0x9270] =	vst v1  }
0x56: {  	[tilespmem:$0x9280] =	vst v1  }
0x57: {  	[tilespmem:$0x9290] =	vst v1  }
0x58: {  	[tilespmem:$0x92A0] =	vst v1  }
0x59: {  	[tilespmem:$0x92B0] =	vst v1  }
0x5a: {  	[tilespmem:$0x92C0] =	vst v1  }
0x5b: {  	[tilespmem:$0x92D0] =	vst v1  }
0x5c: {  	[tilespmem:$0x92E0] =	vst v1  }
0x5d: {  	[tilespmem:$0x92F0] =	vst v1;
	s29 =	simm.s32 $0x0;
	s2 =	simm.s32 $0x200  }
.LBB2_2:
0x5e: {  	p2 =	sne.s32 s2, $0xFE00;
	[tilespmem:s29+$0x5070] =	vst v1  }
0x5f: {  	[tilespmem:s29+$0x5000] =	vst v1  }
0x60: {  	[tilespmem:s29+$0x5010] =	vst v1  }
.Ltmp2:
0x61: {  	[tilespmem:s29+$0x5020] =	vst v1;
	(pc) =	sbr.rel @p2 .LBB2_2-.Ltmp2, $4  }
0x62: {  	[tilespmem:s29+$0x5030] =	vst v1  }
0x63: {  	[tilespmem:s29+$0x5040] =	vst v1  }
0x64: {  	[tilespmem:s29+$0x5050] =	vst v1  }
0x65: {  	[tilespmem:s29+$0x5060] =	vst v1;
	s29 =	sshra.s32 s2, $0x2;
	s2 =	sadd.s32 $0x200, s2  }
0x66: {  	[tilespmem:s29+$0x5070] =	vst v1  }
0x67: {  	[tilespmem:s29+$0x5000] =	vst v1  }
0x68: {  	[tilespmem:s29+$0x5010] =	vst v1  }
0x69: {  	[tilespmem:s29+$0x5020] =	vst v1  }
0x6a: {  	[tilespmem:s29+$0x5030] =	vst v1  }
0x6b: {  	[tilespmem:s29+$0x5040] =	vst v1  }
0x6c: {  	[tilespmem:s29+$0x5050] =	vst v1  }
0x6d: {  	[tilespmem:s29+$0x5060] =	vst v1  }
0x6e: {  	[spmem:s6] =	stream.linear.scatter [tilespmem:s18], [sflag:$0x3], $0x4000, $0x38;
	[tilespmem:$0x1CE78] =	vst v63  }
0x6f: {  	_ =	swait.ge [sflag:s19], $0x4000  }
0x70: {  	[sflag:s19] =	ssyncset.done $0x0  }
0x71: {  	[sflag:s19] =	ssyncadd.s32 $0xFFFFC000  }
0x72: {  	[spmem:s7] =	stream.linear.scatter [tilespmem:s18], [sflag:$0x3], $0x4000, $0x38;
	[tilespmem:$0x1CE78] =	vst v63  }
0x73: {  	_ =	swait.ge [sflag:s19], $0x4000  }
0x74: {  	[sflag:s19] =	ssyncset.done $0x0  }
0x75: {  	[sflag:s19] =	ssyncadd.s32 $0xFFFFC000  }
0x76: {  	[spmem:s8] =	stream.linear.scatter [tilespmem:s18], [sflag:$0x3], $0x4000, $0x38;
	[tilespmem:$0x1CE78] =	vst v63  }
0x77: {  	_ =	swait.ge [sflag:s19], $0x4000  }
0x78: {  	[sflag:s19] =	ssyncset.done $0x0  }
0x79: {  	[sflag:s19] =	ssyncadd.s32 $0xFFFFC000  }
0x7a: {  	[spmem:s9] =	stream.linear.scatter [tilespmem:s18], [sflag:$0x3], $0x4000, $0x38;
	[tilespmem:$0x1CE78] =	vst v63  }
0x7b: {  	_ =	swait.ge [sflag:s19], $0x4000  }
0x7c: {  	[sflag:s19] =	ssyncset.done $0x0  }
0x7d: {  	[sflag:s19] =	ssyncadd.s32 $0xFFFFC000  }
0x7e: {  	[spmem:s10] =	stream.linear.scatter [tilespmem:s18], [sflag:$0x3], $0x3900, $0x38;
	[tilespmem:$0x1CE78] =	vst v63  }
0x7f: {  	_ =	swait.ge [sflag:s19], $0x3900  }
0x80: {  	[sflag:s19] =	ssyncset.done $0x0  }
0x81: {  	[sflag:s19] =	ssyncadd.s32 $0xFFFFC700  }
0x82: {  	[spmem:s11] =	stream.linear.scatter [tilespmem:s20], [sflag:$0x3], $0x278, $0x38;
	[tilespmem:$0x1CE78] =	vst v63  }
0x83: {  	_ =	swait.ge [sflag:s19], $0x278  }
0x84: {  	[sflag:s19] =	ssyncset.done $0x0  }
0x85: {  	s29 =	simm.s32 $0x0;
	[sflag:s19] =	ssyncadd.s32 $0xFFFFFD88  }
0x86: {  	[tilespmem:s29], [sflag:$0x3] =	stream.linear.gather [hbm4b:s12+s29], $0x2780, $0x38;
	[tilespmem:$0x1CE78] =	vst v63  }
0x87: {  	_ =	swait.ge [sflag:s19], $0x2780  }
0x88: {  	[sflag:s19] =	ssyncset.done $0x0  }
0x89: {  	s30 =	simm.s32 $0x2800;
	[sflag:s19] =	ssyncadd.s32 $0xFFFFD880  }
0x8a: {  	[tilespmem:s30], [sflag:$0x3] =	stream.linear.gather [hbm4b:s13+s29], $0x2780, $0x38;
	[tilespmem:$0x1CE78] =	vst v63  }
.Ltmp3:
0x8b: {  	_ =	swait.ge [sflag:s19], $0x2780;
	(pc) =	sbr.rel .LBB2_4-.Ltmp3, $4  }
0x8c: {  	[sflag:s19] =	ssyncset.done $0x0  }
0x8d: {  	[sflag:s19] =	ssyncadd.s32 $0xFFFFD880  }
0x8e: {  	[bflag:$0x0] =	sbarrier.arrive $0xFFFF  }
0x8f: {  	s31 =	simm.s32 $0x4E;
	s2 =	simm.s32 $0x0  }
.LBB2_5:
.Ltmp4:
0x90: {  	(pc) =	sbr.rel @p2 .LBB2_8-.Ltmp4, $2  }
0x91: {  	_ =	sdelay $0x2  }
0x92: {  	[spmem:s4] =	stream.indirect.scatter.add.f32 [tilespmem:s23], [sflag:$0x2], $0x1, s30, s21, $0xb8;
	[tilespmem:$0x1CE78] =	vst v63  }
.LBB2_6:
0x93: {  	s31 =	sadd.s32 $0xFFFFFFFF, s31;
	s29 =	sadd.s32 $0x80, s29;
	s30 =	sadd.s32 $0x80, s30  }
.LBB2_4:
0x94: {  	[tilespmem:s18], [sflag:$0x1] =	stream.indirect.gather [hbm4b:s1+s21], $0x80, s29, s21, $0xb8;
	[tilespmem:$0x1CE78] =	vst v63  }
0x95: {  	_ =	swait.ge [sflag:s22], $0x4000  }
0x96: {  	[sflag:s22] =	ssyncset.done $0x0  }
.Ltmp5:
0x97: {  	[sflag:s22] =	ssyncadd.s32 $0xFFFFC000;
	(pc) =	sbr.rel @p0 .LBB2_5-.Ltmp5, $4  }
0x98: {  	[spmem:s3] =	stream.indirect.scatter.add.f32 [tilespmem:s18], [sflag:$0x3], $0x80, s30, s21, $0xb8;
	[tilespmem:$0x1CE78] =	vst v63  }
0x99: {  	_ =	swait.ge [sflag:s19], $0x4000  }
0x9a: {  	[sflag:s19] =	ssyncset.done $0x0  }
0x9b: {  	s2 =	sadd.s32 $0x1, s2;
	p2 =	seq.s32 s31, $0x0;
	[sflag:s19] =	ssyncadd.s32 $0xFFFFC000  }
.Ltmp6:
0x9c: {  	(pc) =	sbr.rel @!p2 .LBB2_6-.Ltmp6, $4  }
.Ltmp7:
0x9d: {  	(pc) =	sbr.rel @p2 .LBB2_11-.Ltmp7, $4  }
0x9e: {  	_ = 	snop  }
0x9f: {  	_ = 	snop  }
0xa0: {  	_ = 	snop  }
0xa1: {  	_ = 	snop  }
.LBB2_8:
0xa2: {  	_ =	swait.ge [sflag:s26], $0x80  }
0xa3: {  	s2 =	simm.s32 $0x4E;
	[sflag:s26] =	ssyncset.done $0x0  }
.LBB2_9:
0xa4: {  	p2 =	sne.s32 s2, $0x1;
	s2 =	sadd.s32 $0xFFFFFFFF, s2;
	[sflag:s26] =	ssyncadd.s32 $0xFFFFFF80  }
.Ltmp8:
0xa5: {  	(pc) =	sbr.rel @p2 .LBB2_9-.Ltmp8, $3  }
0xa6: {  	_ =	sdelay $0x1  }
0xa7: {  	_ =	swait.ge [sflag:s26], $0x80  }
0xa8: {  	[sflag:s26] =	ssyncset.done $0x0  }
.Ltmp9:
0xa9: {  	_ = 	snop;
	(pc) =	sbr.rel .LBB2_10-.Ltmp9, $1  }
0xaa: {  	_ =	sdelay $0x3  }
.LBB2_12:
0xab: {  	_ =	sfence.sel $0x180000  }
0xac: {  	[bflag:$0x0] =	sbarrier.arrive $0xFFFF  }
0xad: {  	_ =	strace $0x90000047  }
0xae: {  	[bflag:$0x2] =	sbarrier.arrive $0xFFFF  }
0xaf: {  	p0 =	sne.s32 s0, $0x0;
	s0 =	rddreg [dreg:$0x4]  }
0xb0: {  	s0 =	sadd.s32 @!p0 $0x100000, s0  }
0xb1: {  	[sflag:s0] =	ssyncadd.tile.s32 @!p0 $0x1;
	_ =	shalt  }
.Lfunc_end2:
_tile_overlayer_lowered:
.L_overlay_start_2:
0xb2: {  	(tag) =	ssettag $0x2  }
0xb3: {  	s0 =	rddreg [dreg:$0x0];
	s2 =	stileid.u32  }
0xb4: {  	s1 =	rddreg [dreg:$0x1];
	p0 =	sne.s32 s2, $0x0  }
0xb5: {  	s3 =	rddreg [dreg:$0x2];
	[bflag:$0x3] =	sbarrier.arrive $0xFFFF;
	s2 =	simm.s32 @!p0 $0x1C03  }
0xb6: {  	[timem:s3], [sflag:s2] =	dma.local @!p0 [hbm:s0], s1  }
0xb7: {  	s0 =	simm.s32 @!p0 $0x3  }
0xb8: {  	_ =	swait.ge @!p0 [sflag:s0], s1  }
0xb9: {  	s1 =	ssub.s32 @!p0 $0x0, s1;
	[sflag:s0] =	ssyncset.done @!p0 $0x0  }
0xba: {  	[sflag:s0] =	ssyncadd.s32 @!p0 s1  }
0xbb: {  	[bflag:$0x3] =	sbarrier.arrive $0xFFFF  }
0xbc: {  	_ =	shalt  }

</sc_bundles>
